<compile_context>
chip_gen: v7x
topology: tpu7x:2x2x1
jax: 0.10.2.dev20260603
libtpu: 0.0.44.dev20260713+nightly
codegen_flags: <defaults>
</compile_context>

<pallas_src>
import jax
import jax.numpy as jnp
from jax import lax
from jax.experimental import pallas as pl
from jax.experimental.pallas import tpu as pltpu
from jax.experimental.pallas import tpu_sc as plsc

BATCH = 16384
N_FIELDS = 26
N_EMB = 13
VOCAB = 500
EMB_DIM = 4
TAB_SZ = VOCAB * EMB_DIM
OUT_DIM = N_EMB * EMB_DIM + (N_FIELDS - 1 - N_EMB)
NUM_CORES = 2
NUM_SUBCORES = 16
NUM_WORKERS = NUM_CORES * NUM_SUBCORES
ROWS_PER_WORKER = BATCH // NUM_WORKERS
HALF = ROWS_PER_WORKER // 2
LANES = 16


def _sc_body(user_sparse_hbm, tables_hbm, out_hbm, in_v, tab_v, out_v):
    wid = lax.axis_index("s") * NUM_CORES + lax.axis_index("c")
    base = wid * ROWS_PER_WORKER
    pltpu.sync_copy(tables_hbm, tab_v)

    lane = lax.iota(jnp.int32, LANES)
    dvec = lane & 3
    grp_field = lane >> 2
    fvecs = [grp_field + 4 * g for g in range(3)]
    tvecs = [(grp_field + 4 * g) * TAB_SZ + dvec for g in range(3)]
    f3 = 12 + jnp.maximum(lane - 3, 0)
    t3 = 12 * TAB_SZ + dvec
    is_emb3 = lane < 4

    for p in range(2):
        pltpu.sync_copy(user_sparse_hbm.at[pl.ds(base + p * HALF, HALF)], in_v)

        def row_body(r, _p=p):
            rv = jnp.full((LANES,), r, jnp.int32)
            orv = rv + _p * HALF
            for g in range(3):
                col = plsc.load_gather(in_v, [rv, fvecs[g]])
                val = plsc.load_gather(tab_v, [col * EMB_DIM + tvecs[g]])
                plsc.store_scatter(out_v, [orv, g * LANES + lane], val)
            col3 = plsc.load_gather(in_v, [rv, f3])
            emb3 = plsc.load_gather(tab_v, [col3 * EMB_DIM + t3])
            val3 = jnp.where(is_emb3, emb3, col3.astype(jnp.float32))
            plsc.store_scatter(out_v, [orv, 3 * LANES + lane], val3)

        plsc.parallel_loop(0, HALF, 1, unroll=8)(row_body)

    pltpu.sync_copy(out_v, out_hbm.at[pl.ds(base, ROWS_PER_WORKER)])


def kernel(user_sparse, tables):
    mesh = plsc.VectorSubcoreMesh(core_axis_name="c", subcore_axis_name="s")
    fn = pl.kernel(
        _sc_body,
        out_type=jax.ShapeDtypeStruct((BATCH, OUT_DIM), jnp.float32),
        mesh=mesh,
        compiler_params=pltpu.CompilerParams(needs_layout_passes=False),
        scratch_types=[
            pltpu.VMEM((HALF, N_FIELDS), jnp.int32),
            pltpu.VMEM((N_EMB * TAB_SZ,), jnp.float32),
            pltpu.VMEM((ROWS_PER_WORKER, OUT_DIM), jnp.float32),
        ],
    )
    return fn(user_sparse, tables.reshape(-1))

# --- scband reference (transcript-rebuilt; emitter-appended) ---
"""Pipeline reference for scband-sparse-process-layer-24601572672071 (READ-ONLY COPY).

The authoritative reference and input builder live on the scoring server;
editing this copy changes nothing except your own understanding.
"""

import jax, jax.numpy as jnp
import numpy as np

BATCH = 16384
N_FIELDS = 26
N_EMB = 13   # feat_0..feat_12 have embeddings
SKIP_IDX = 25  # 'request_hour_diff' is last and skipped
VOCAB = 500
EMB_DIM = 4


def setup_inputs(seed: int = 0) -> dict:
    key = jax.random.key(seed)
    k_idx, k_tab = jax.random.split(key)
    user_sparse = jax.random.randint(k_idx, (BATCH, N_FIELDS), 0, VOCAB, dtype=jnp.int32)
    # One embedding table per embedded field, stacked: [N_EMB, VOCAB, EMB_DIM]
    tables = jax.random.normal(k_tab, (N_EMB, VOCAB, EMB_DIM), dtype=jnp.float32) * 0.05
    return {"user_sparse": user_sparse, "tables": tables}


def reference(user_sparse, tables):
    outs = []
    for idx in range(N_FIELDS):
        if idx == SKIP_IDX:  # 'request_hour_diff' skipped
            continue
        col = user_sparse[:, idx]
        if idx < N_EMB:
            emb = jnp.take(tables[idx], col, axis=0)  # [B, EMB_DIM]
            outs.append(jnp.reshape(emb, (-1, EMB_DIM)))
        else:
            outs.append(col.astype(jnp.float32)[:, None])  # [B, 1]
    return jnp.concatenate(outs, axis=1)  # [B, 13*4 + 12] = [B, 64]

if __name__ == "__main__":
    import jax
    _d = setup_inputs()
    print(jax.jit(kernel)(*tuple(_d.values())))

</pallas_src>

<mosaic_0001>
#map = affine_map<(d0, d1) -> (0, 0)>
#map1 = affine_map<(d0, d1) -> (0)>
module attributes {stable_mosaic.version = 14 : i64} {
  func.func @_sc_body(%arg0: i32, %arg1: i32, %arg2: memref<16384x26xi32, #tpu.memory_space<hbm>>, %arg3: memref<26000xf32, #tpu.memory_space<hbm>>, %arg4: memref<16384x64xf32, #tpu.memory_space<hbm>>, %arg5: memref<256x26xi32, #tpu.memory_space<vmem>>, %arg6: memref<26000xf32, #tpu.memory_space<vmem>>, %arg7: memref<512x64xf32, #tpu.memory_space<vmem>>) attributes {dimension_semantics = [#tpu.dimension_semantics<core_parallel>, #tpu.dimension_semantics<subcore_parallel>], iteration_bounds = array<i64: 2, 16>, scalar_prefetch = 0 : i64, scratch_operands = 3 : i64, tpu.core_type = #tpu.core_type<sc_vector_subcore>, window_params = [{transform_indices = #map}, {transform_indices = #map1}, {transform_indices = #map}]} {
    %mul3A = arith.constant 2 : i32
    %mul3A_0 = arith.muli %arg1, %mul3A : i32
    %add3A = arith.addi %mul3A_0, %arg0 : i32
    %mul3A_1 = arith.constant 512 : i32
    %mul3A_2 = arith.muli %add3A, %mul3A_1 : i32
    "tpu.region"() ({
      %run_scoped3A = tpu.sem_alloc : memref<!tpu.dma_semaphore, #tpu.memory_space<semaphore_mem>>
      tpu.enqueue_dma source(%arg3 : memref<26000xf32, #tpu.memory_space<hbm>>) target(%arg6 : memref<26000xf32, #tpu.memory_space<vmem>>) target_semaphore(%run_scoped3A : memref<!tpu.dma_semaphore, #tpu.memory_space<semaphore_mem>>)
      tpu.wait_dma2 semaphore(%run_scoped3A : memref<!tpu.dma_semaphore, #tpu.memory_space<semaphore_mem>>) src(%arg3 : memref<26000xf32, #tpu.memory_space<hbm>>) dst(%arg6 : memref<26000xf32, #tpu.memory_space<vmem>>)
      tpu.yield
    }) : () -> ()
    %iota3A = tpu.iota {dimensions = array<i32: 0>} : vector<16xi32>
    %and3A = arith.constant 3 : i32
    %and3A_3 = vector.broadcast %and3A : i32 to vector<16xi32>
    %and3A_4 = arith.andi %iota3A, %and3A_3 : vector<16xi32>
    %shift_right_arithmetic3A = arith.constant 2 : i32
    %shift_right_arithmetic3A_5 = vector.broadcast %shift_right_arithmetic3A : i32 to vector<16xi32>
    %shift_right_arithmetic3A_6 = arith.shrsi %iota3A, %shift_right_arithmetic3A_5 : vector<16xi32>
    %add3A_7 = arith.constant 0 : i32
    %add3A_8 = vector.broadcast %add3A_7 : i32 to vector<16xi32>
    %add3A_9 = arith.addi %shift_right_arithmetic3A_6, %add3A_8 : vector<16xi32>
    %add3A_10 = arith.constant 4 : i32
    %add3A_11 = vector.broadcast %add3A_10 : i32 to vector<16xi32>
    %add3A_12 = arith.addi %shift_right_arithmetic3A_6, %add3A_11 : vector<16xi32>
    %add3A_13 = arith.constant 8 : i32
    %add3A_14 = vector.broadcast %add3A_13 : i32 to vector<16xi32>
    %add3A_15 = arith.addi %shift_right_arithmetic3A_6, %add3A_14 : vector<16xi32>
    %add3A_16 = arith.constant 0 : i32
    %add3A_17 = vector.broadcast %add3A_16 : i32 to vector<16xi32>
    %add3A_18 = arith.addi %shift_right_arithmetic3A_6, %add3A_17 : vector<16xi32>
    %mul3A_19 = arith.constant 2000 : i32
    %mul3A_20 = vector.broadcast %mul3A_19 : i32 to vector<16xi32>
    %mul3A_21 = arith.muli %add3A_18, %mul3A_20 : vector<16xi32>
    %add3A_22 = arith.addi %mul3A_21, %and3A_4 : vector<16xi32>
    %add3A_23 = arith.constant 4 : i32
    %add3A_24 = vector.broadcast %add3A_23 : i32 to vector<16xi32>
    %add3A_25 = arith.addi %shift_right_arithmetic3A_6, %add3A_24 : vector<16xi32>
    %mul3A_26 = arith.constant 2000 : i32
    %mul3A_27 = vector.broadcast %mul3A_26 : i32 to vector<16xi32>
    %mul3A_28 = arith.muli %add3A_25, %mul3A_27 : vector<16xi32>
    %add3A_29 = arith.addi %mul3A_28, %and3A_4 : vector<16xi32>
    %add3A_30 = arith.constant 8 : i32
    %add3A_31 = vector.broadcast %add3A_30 : i32 to vector<16xi32>
    %add3A_32 = arith.addi %shift_right_arithmetic3A_6, %add3A_31 : vector<16xi32>
    %mul3A_33 = arith.constant 2000 : i32
    %mul3A_34 = vector.broadcast %mul3A_33 : i32 to vector<16xi32>
    %mul3A_35 = arith.muli %add3A_32, %mul3A_34 : vector<16xi32>
    %add3A_36 = arith.addi %mul3A_35, %and3A_4 : vector<16xi32>
    %sub3A = arith.constant 3 : i32
    %sub3A_37 = vector.broadcast %sub3A : i32 to vector<16xi32>
    %sub3A_38 = arith.subi %iota3A, %sub3A_37 : vector<16xi32>
    %max3A = arith.constant 0 : i32
    %max3A_39 = vector.broadcast %max3A : i32 to vector<16xi32>
    %max3A_40 = arith.maxsi %sub3A_38, %max3A_39 : vector<16xi32>
    %add3A_41 = arith.constant 12 : i32
    %add3A_42 = vector.broadcast %add3A_41 : i32 to vector<16xi32>
    %add3A_43 = arith.addi %add3A_42, %max3A_40 : vector<16xi32>
    %add3A_44 = arith.constant 24000 : i32
    %add3A_45 = vector.broadcast %add3A_44 : i32 to vector<16xi32>
    %add3A_46 = arith.addi %add3A_45, %and3A_4 : vector<16xi32>
    %lt3A = arith.constant 4 : i32
    %lt3A_47 = vector.broadcast %lt3A : i32 to vector<16xi32>
    %lt3A_48 = arith.cmpi slt, %iota3A, %lt3A_47 : vector<16xi32>
    %add3A_49 = arith.constant 0 : i32
    %add3A_50 = arith.addi %mul3A_2, %add3A_49 : i32
    "tpu.region"() ({
      %run_scoped3A = tpu.sem_alloc : memref<!tpu.dma_semaphore, #tpu.memory_space<semaphore_mem>>
      %dma_start3A = arith.constant 0 : i32
      %dma_start3A_58 = tpu.memref_slice %arg2[%add3A_50, %dma_start3A] : memref<16384x26xi32, #tpu.memory_space<hbm>> -> memref<256x26xi32, #tpu.memory_space<hbm>>
      %dma_start3A_59 = arith.constant 0 : i32
      %dma_start3A_60 = tpu.memref_slice %arg2[%add3A_50, %dma_start3A_59] : memref<16384x26xi32, #tpu.memory_space<hbm>> -> memref<256x26xi32, #tpu.memory_space<hbm>>
      tpu.enqueue_dma source(%dma_start3A_60 : memref<256x26xi32, #tpu.memory_space<hbm>>) target(%arg5 : memref<256x26xi32, #tpu.memory_space<vmem>>) target_semaphore(%run_scoped3A : memref<!tpu.dma_semaphore, #tpu.memory_space<semaphore_mem>>)
      %dma_wait3A = arith.constant 0 : i32
      %dma_wait3A_61 = tpu.memref_slice %arg2[%add3A_50, %dma_wait3A] : memref<16384x26xi32, #tpu.memory_space<hbm>> -> memref<256x26xi32, #tpu.memory_space<hbm>>
      %dma_wait3A_62 = arith.constant 0 : i32
      %dma_wait3A_63 = tpu.memref_slice %arg2[%add3A_50, %dma_wait3A_62] : memref<16384x26xi32, #tpu.memory_space<hbm>> -> memref<256x26xi32, #tpu.memory_space<hbm>>
      tpu.wait_dma2 semaphore(%run_scoped3A : memref<!tpu.dma_semaphore, #tpu.memory_space<semaphore_mem>>) src(%dma_wait3A_63 : memref<256x26xi32, #tpu.memory_space<hbm>>) dst(%arg5 : memref<256x26xi32, #tpu.memory_space<vmem>>)
      tpu.yield
    }) : () -> ()
    %parallel_loop3A = arith.constant 0 : i32
    %parallel_loop3A_51 = arith.constant 256 : i32
    %parallel_loop3A_52 = arith.constant 1 : i32
    scf.for %parallel_loop3A_58 = %parallel_loop3A to %parallel_loop3A_51 step %parallel_loop3A_52  : i32 {
      %parallel_loop3A_59 = vector.broadcast %parallel_loop3A_58 : i32 to vector<16xi32>
      %parallel_loop3A_60 = arith.constant 0 : i32
      %parallel_loop3A_61 = vector.broadcast %parallel_loop3A_60 : i32 to vector<16xi32>
      %parallel_loop3A_62 = arith.addi %parallel_loop3A_59, %parallel_loop3A_61 : vector<16xi32>
      %parallel_loop3A_63 = tpu.vector_load_idx %arg5[%parallel_loop3A_59, %add3A_9] : memref<256x26xi32, #tpu.memory_space<vmem>>[vector<16xi32>, vector<16xi32>], vector<16xi32>,
      %parallel_loop3A_64 = arith.constant 4 : i32
      %parallel_loop3A_65 = vector.broadcast %parallel_loop3A_64 : i32 to vector<16xi32>
      %parallel_loop3A_66 = arith.muli %parallel_loop3A_63, %parallel_loop3A_65 : vector<16xi32>
      %parallel_loop3A_67 = arith.addi %parallel_loop3A_66, %add3A_22 : vector<16xi32>
      %parallel_loop3A_68 = tpu.vector_load_idx %arg6[%parallel_loop3A_67] : memref<26000xf32, #tpu.memory_space<vmem>>[vector<16xi32>], vector<16xf32>,
      %parallel_loop3A_69 = arith.constant 0 : i32
      %parallel_loop3A_70 = vector.broadcast %parallel_loop3A_69 : i32 to vector<16xi32>
      %parallel_loop3A_71 = arith.addi %parallel_loop3A_70, %iota3A : vector<16xi32>
      tpu.vector_store_idx %arg7[%parallel_loop3A_62, %parallel_loop3A_71], %parallel_loop3A_68 : memref<512x64xf32, #tpu.memory_space<vmem>>[vector<16xi32>, vector<16xi32>], vector<16xf32>,
      %parallel_loop3A_72 = tpu.vector_load_idx %arg5[%parallel_loop3A_59, %add3A_12] : memref<256x26xi32, #tpu.memory_space<vmem>>[vector<16xi32>, vector<16xi32>], vector<16xi32>,
      %parallel_loop3A_73 = arith.constant 4 : i32
      %parallel_loop3A_74 = vector.broadcast %parallel_loop3A_73 : i32 to vector<16xi32>
      %parallel_loop3A_75 = arith.muli %parallel_loop3A_72, %parallel_loop3A_74 : vector<16xi32>
      %parallel_loop3A_76 = arith.addi %parallel_loop3A_75, %add3A_29 : vector<16xi32>
      %parallel_loop3A_77 = tpu.vector_load_idx %arg6[%parallel_loop3A_76] : memref<26000xf32, #tpu.memory_space<vmem>>[vector<16xi32>], vector<16xf32>,
      %parallel_loop3A_78 = arith.constant 16 : i32
      %parallel_loop3A_79 = vector.broadcast %parallel_loop3A_78 : i32 to vector<16xi32>
      %parallel_loop3A_80 = arith.addi %parallel_loop3A_79, %iota3A : vector<16xi32>
      tpu.vector_store_idx %arg7[%parallel_loop3A_62, %parallel_loop3A_80], %parallel_loop3A_77 : memref<512x64xf32, #tpu.memory_space<vmem>>[vector<16xi32>, vector<16xi32>], vector<16xf32>,
      %parallel_loop3A_81 = tpu.vector_load_idx %arg5[%parallel_loop3A_59, %add3A_15] : memref<256x26xi32, #tpu.memory_space<vmem>>[vector<16xi32>, vector<16xi32>], vector<16xi32>,
      %parallel_loop3A_82 = arith.constant 4 : i32
      %parallel_loop3A_83 = vector.broadcast %parallel_loop3A_82 : i32 to vector<16xi32>
      %parallel_loop3A_84 = arith.muli %parallel_loop3A_81, %parallel_loop3A_83 : vector<16xi32>
      %parallel_loop3A_85 = arith.addi %parallel_loop3A_84, %add3A_36 : vector<16xi32>
      %parallel_loop3A_86 = tpu.vector_load_idx %arg6[%parallel_loop3A_85] : memref<26000xf32, #tpu.memory_space<vmem>>[vector<16xi32>], vector<16xf32>,
      %parallel_loop3A_87 = arith.constant 32 : i32
      %parallel_loop3A_88 = vector.broadcast %parallel_loop3A_87 : i32 to vector<16xi32>
      %parallel_loop3A_89 = arith.addi %parallel_loop3A_88, %iota3A : vector<16xi32>
      tpu.vector_store_idx %arg7[%parallel_loop3A_62, %parallel_loop3A_89], %parallel_loop3A_86 : memref<512x64xf32, #tpu.memory_space<vmem>>[vector<16xi32>, vector<16xi32>], vector<16xf32>,
      %parallel_loop3A_90 = tpu.vector_load_idx %arg5[%parallel_loop3A_59, %add3A_43] : memref<256x26xi32, #tpu.memory_space<vmem>>[vector<16xi32>, vector<16xi32>], vector<16xi32>,
      %parallel_loop3A_91 = arith.constant 4 : i32
      %parallel_loop3A_92 = vector.broadcast %parallel_loop3A_91 : i32 to vector<16xi32>
      %parallel_loop3A_93 = arith.muli %parallel_loop3A_90, %parallel_loop3A_92 : vector<16xi32>
      %parallel_loop3A_94 = arith.addi %parallel_loop3A_93, %add3A_46 : vector<16xi32>
      %parallel_loop3A_95 = tpu.vector_load_idx %arg6[%parallel_loop3A_94] : memref<26000xf32, #tpu.memory_space<vmem>>[vector<16xi32>], vector<16xf32>,
      %parallel_loop3A_96 = arith.sitofp %parallel_loop3A_90 : vector<16xi32> to vector<16xf32>
      %parallel_loop3A_97 = arith.select %lt3A_48, %parallel_loop3A_95, %parallel_loop3A_96 : vector<16xi1>, vector<16xf32>
      %parallel_loop3A_98 = arith.constant 48 : i32
      %parallel_loop3A_99 = vector.broadcast %parallel_loop3A_98 : i32 to vector<16xi32>
      %parallel_loop3A_100 = arith.addi %parallel_loop3A_99, %iota3A : vector<16xi32>
      tpu.vector_store_idx %arg7[%parallel_loop3A_62, %parallel_loop3A_100], %parallel_loop3A_97 : memref<512x64xf32, #tpu.memory_space<vmem>>[vector<16xi32>, vector<16xi32>], vector<16xf32>,
    } {sc.loop_unroll_factor = 8 : i64, sc.parallel_access}
    %add3A_53 = arith.constant 256 : i32
    %add3A_54 = arith.addi %mul3A_2, %add3A_53 : i32
    "tpu.region"() ({
      %run_scoped3A = tpu.sem_alloc : memref<!tpu.dma_semaphore, #tpu.memory_space<semaphore_mem>>
      %dma_start3A = arith.constant 0 : i32
      %dma_start3A_58 = tpu.memref_slice %arg2[%add3A_54, %dma_start3A] : memref<16384x26xi32, #tpu.memory_space<hbm>> -> memref<256x26xi32, #tpu.memory_space<hbm>>
      %dma_start3A_59 = arith.constant 0 : i32
      %dma_start3A_60 = tpu.memref_slice %arg2[%add3A_54, %dma_start3A_59] : memref<16384x26xi32, #tpu.memory_space<hbm>> -> memref<256x26xi32, #tpu.memory_space<hbm>>
      tpu.enqueue_dma source(%dma_start3A_60 : memref<256x26xi32, #tpu.memory_space<hbm>>) target(%arg5 : memref<256x26xi32, #tpu.memory_space<vmem>>) target_semaphore(%run_scoped3A : memref<!tpu.dma_semaphore, #tpu.memory_space<semaphore_mem>>)
      %dma_wait3A = arith.constant 0 : i32
      %dma_wait3A_61 = tpu.memref_slice %arg2[%add3A_54, %dma_wait3A] : memref<16384x26xi32, #tpu.memory_space<hbm>> -> memref<256x26xi32, #tpu.memory_space<hbm>>
      %dma_wait3A_62 = arith.constant 0 : i32
      %dma_wait3A_63 = tpu.memref_slice %arg2[%add3A_54, %dma_wait3A_62] : memref<16384x26xi32, #tpu.memory_space<hbm>> -> memref<256x26xi32, #tpu.memory_space<hbm>>
      tpu.wait_dma2 semaphore(%run_scoped3A : memref<!tpu.dma_semaphore, #tpu.memory_space<semaphore_mem>>) src(%dma_wait3A_63 : memref<256x26xi32, #tpu.memory_space<hbm>>) dst(%arg5 : memref<256x26xi32, #tpu.memory_space<vmem>>)
      tpu.yield
    }) : () -> ()
    %parallel_loop3A_55 = arith.constant 0 : i32
    %parallel_loop3A_56 = arith.constant 256 : i32
    %parallel_loop3A_57 = arith.constant 1 : i32
    scf.for %parallel_loop3A_58 = %parallel_loop3A_55 to %parallel_loop3A_56 step %parallel_loop3A_57  : i32 {
      %parallel_loop3A_59 = vector.broadcast %parallel_loop3A_58 : i32 to vector<16xi32>
      %parallel_loop3A_60 = arith.constant 256 : i32
      %parallel_loop3A_61 = vector.broadcast %parallel_loop3A_60 : i32 to vector<16xi32>
      %parallel_loop3A_62 = arith.addi %parallel_loop3A_59, %parallel_loop3A_61 : vector<16xi32>
      %parallel_loop3A_63 = tpu.vector_load_idx %arg5[%parallel_loop3A_59, %add3A_9] : memref<256x26xi32, #tpu.memory_space<vmem>>[vector<16xi32>, vector<16xi32>], vector<16xi32>,
      %parallel_loop3A_64 = arith.constant 4 : i32
      %parallel_loop3A_65 = vector.broadcast %parallel_loop3A_64 : i32 to vector<16xi32>
      %parallel_loop3A_66 = arith.muli %parallel_loop3A_63, %parallel_loop3A_65 : vector<16xi32>
      %parallel_loop3A_67 = arith.addi %parallel_loop3A_66, %add3A_22 : vector<16xi32>
      %parallel_loop3A_68 = tpu.vector_load_idx %arg6[%parallel_loop3A_67] : memref<26000xf32, #tpu.memory_space<vmem>>[vector<16xi32>], vector<16xf32>,
      %parallel_loop3A_69 = arith.constant 0 : i32
      %parallel_loop3A_70 = vector.broadcast %parallel_loop3A_69 : i32 to vector<16xi32>
      %parallel_loop3A_71 = arith.addi %parallel_loop3A_70, %iota3A : vector<16xi32>
      tpu.vector_store_idx %arg7[%parallel_loop3A_62, %parallel_loop3A_71], %parallel_loop3A_68 : memref<512x64xf32, #tpu.memory_space<vmem>>[vector<16xi32>, vector<16xi32>], vector<16xf32>,
      %parallel_loop3A_72 = tpu.vector_load_idx %arg5[%parallel_loop3A_59, %add3A_12] : memref<256x26xi32, #tpu.memory_space<vmem>>[vector<16xi32>, vector<16xi32>], vector<16xi32>,
      %parallel_loop3A_73 = arith.constant 4 : i32
      %parallel_loop3A_74 = vector.broadcast %parallel_loop3A_73 : i32 to vector<16xi32>
      %parallel_loop3A_75 = arith.muli %parallel_loop3A_72, %parallel_loop3A_74 : vector<16xi32>
      %parallel_loop3A_76 = arith.addi %parallel_loop3A_75, %add3A_29 : vector<16xi32>
      %parallel_loop3A_77 = tpu.vector_load_idx %arg6[%parallel_loop3A_76] : memref<26000xf32, #tpu.memory_space<vmem>>[vector<16xi32>], vector<16xf32>,
      %parallel_loop3A_78 = arith.constant 16 : i32
      %parallel_loop3A_79 = vector.broadcast %parallel_loop3A_78 : i32 to vector<16xi32>
      %parallel_loop3A_80 = arith.addi %parallel_loop3A_79, %iota3A : vector<16xi32>
      tpu.vector_store_idx %arg7[%parallel_loop3A_62, %parallel_loop3A_80], %parallel_loop3A_77 : memref<512x64xf32, #tpu.memory_space<vmem>>[vector<16xi32>, vector<16xi32>], vector<16xf32>,
      %parallel_loop3A_81 = tpu.vector_load_idx %arg5[%parallel_loop3A_59, %add3A_15] : memref<256x26xi32, #tpu.memory_space<vmem>>[vector<16xi32>, vector<16xi32>], vector<16xi32>,
      %parallel_loop3A_82 = arith.constant 4 : i32
      %parallel_loop3A_83 = vector.broadcast %parallel_loop3A_82 : i32 to vector<16xi32>
      %parallel_loop3A_84 = arith.muli %parallel_loop3A_81, %parallel_loop3A_83 : vector<16xi32>
      %parallel_loop3A_85 = arith.addi %parallel_loop3A_84, %add3A_36 : vector<16xi32>
      %parallel_loop3A_86 = tpu.vector_load_idx %arg6[%parallel_loop3A_85] : memref<26000xf32, #tpu.memory_space<vmem>>[vector<16xi32>], vector<16xf32>,
      %parallel_loop3A_87 = arith.constant 32 : i32
      %parallel_loop3A_88 = vector.broadcast %parallel_loop3A_87 : i32 to vector<16xi32>
      %parallel_loop3A_89 = arith.addi %parallel_loop3A_88, %iota3A : vector<16xi32>
      tpu.vector_store_idx %arg7[%parallel_loop3A_62, %parallel_loop3A_89], %parallel_loop3A_86 : memref<512x64xf32, #tpu.memory_space<vmem>>[vector<16xi32>, vector<16xi32>], vector<16xf32>,
      %parallel_loop3A_90 = tpu.vector_load_idx %arg5[%parallel_loop3A_59, %add3A_43] : memref<256x26xi32, #tpu.memory_space<vmem>>[vector<16xi32>, vector<16xi32>], vector<16xi32>,
      %parallel_loop3A_91 = arith.constant 4 : i32
      %parallel_loop3A_92 = vector.broadcast %parallel_loop3A_91 : i32 to vector<16xi32>
      %parallel_loop3A_93 = arith.muli %parallel_loop3A_90, %parallel_loop3A_92 : vector<16xi32>
      %parallel_loop3A_94 = arith.addi %parallel_loop3A_93, %add3A_46 : vector<16xi32>
      %parallel_loop3A_95 = tpu.vector_load_idx %arg6[%parallel_loop3A_94] : memref<26000xf32, #tpu.memory_space<vmem>>[vector<16xi32>], vector<16xf32>,
      %parallel_loop3A_96 = arith.sitofp %parallel_loop3A_90 : vector<16xi32> to vector<16xf32>
      %parallel_loop3A_97 = arith.select %lt3A_48, %parallel_loop3A_95, %parallel_loop3A_96 : vector<16xi1>, vector<16xf32>
      %parallel_loop3A_98 = arith.constant 48 : i32
      %parallel_loop3A_99 = vector.broadcast %parallel_loop3A_98 : i32 to vector<16xi32>
      %parallel_loop3A_100 = arith.addi %parallel_loop3A_99, %iota3A : vector<16xi32>
      tpu.vector_store_idx %arg7[%parallel_loop3A_62, %parallel_loop3A_100], %parallel_loop3A_97 : memref<512x64xf32, #tpu.memory_space<vmem>>[vector<16xi32>, vector<16xi32>], vector<16xf32>,
    } {sc.loop_unroll_factor = 8 : i64, sc.parallel_access}
    "tpu.region"() ({
      %run_scoped3A = tpu.sem_alloc : memref<!tpu.dma_semaphore, #tpu.memory_space<semaphore_mem>>
      %dma_start3A = arith.constant 0 : i32
      %dma_start3A_58 = tpu.memref_slice %arg4[%mul3A_2, %dma_start3A] : memref<16384x64xf32, #tpu.memory_space<hbm>> -> memref<512x64xf32, #tpu.memory_space<hbm>>
      %dma_start3A_59 = arith.constant 0 : i32
      %dma_start3A_60 = tpu.memref_slice %arg4[%mul3A_2, %dma_start3A_59] : memref<16384x64xf32, #tpu.memory_space<hbm>> -> memref<512x64xf32, #tpu.memory_space<hbm>>
      tpu.enqueue_dma source(%arg7 : memref<512x64xf32, #tpu.memory_space<vmem>>) target(%dma_start3A_60 : memref<512x64xf32, #tpu.memory_space<hbm>>) target_semaphore(%run_scoped3A : memref<!tpu.dma_semaphore, #tpu.memory_space<semaphore_mem>>)
      %dma_wait3A = arith.constant 0 : i32
      %dma_wait3A_61 = tpu.memref_slice %arg4[%mul3A_2, %dma_wait3A] : memref<16384x64xf32, #tpu.memory_space<hbm>> -> memref<512x64xf32, #tpu.memory_space<hbm>>
      %dma_wait3A_62 = arith.constant 0 : i32
      %dma_wait3A_63 = tpu.memref_slice %arg4[%mul3A_2, %dma_wait3A_62] : memref<16384x64xf32, #tpu.memory_space<hbm>> -> memref<512x64xf32, #tpu.memory_space<hbm>>
      tpu.wait_dma2 semaphore(%run_scoped3A : memref<!tpu.dma_semaphore, #tpu.memory_space<semaphore_mem>>) src(%arg7 : memref<512x64xf32, #tpu.memory_space<vmem>>) dst(%dma_wait3A_63 : memref<512x64xf32, #tpu.memory_space<hbm>>)
      tpu.yield
    }) : () -> ()
    return
  }
}

</mosaic_0001>

<sc_bundles>
// kernel: kernel.3.cloned.1.call-start
scs
__scs_entry_jumppad:
0x0: {  	(pc) =	sbr.rel $0x88, $3  }
0x1: {  	(tag) =	ssettag $0x0;
	lr =	simm.s32 $0x1  }
0x2: {  	[smem:$0x3F9F] =	sst lr;
	_ =	strace $0xD0000000  }
0x3: {  	_ = 	snop  }
0x4: {  	_ = 	snop  }
0x5: {  	_ = 	snop  }
0x6: {  	_ = 	snop  }
0x7: {  	_ = 	snop  }
__scs_overlays_trampoline_lowered:
0x8: {  	[smem:$0x3FAE] =	sst s0  }
0x9: {  	[smem:$0x3FAF] =	sst s1  }
0xa: {  	[smem:$0x3FB0] =	sst s2  }
0xb: {  	[smem:$0x3FB1] =	sst s3  }
0xc: {  	[smem:$0x3FB2] =	sst s4  }
0xd: {  	[smem:$0x3FB3] =	sst s5  }
0xe: {  	[smem:$0x3FB4] =	sst s6  }
0xf: {  	[smem:$0x3FB5] =	sst s7  }
0x10: {  	[smem:$0x3FB6] =	sst s8  }
0x11: {  	[smem:$0x3FB7] =	sst s9;
	s0 =	simm.s32 @!p0 $0x0  }
0x12: {  	s1 =	sld [smem:$0x3F9D];
	s0 =	simm.s32 @p0 $0x1  }
0x13: {  	[smem:$0x3FB8] =	sst s0;
	s0 =	simm.s32 @!p1 $0x0  }
0x14: {  	s2 =	sld [smem:$0x3F9C];
	s0 =	simm.s32 @p1 $0x1  }
0x15: {  	[smem:$0x3FB9] =	sst s0;
	s0 =	simm.s32 @!p2 $0x0  }
0x16: {  	s3 =	sld [smem:$0x3FDB];
	s0 =	simm.s32 @p2 $0x1  }
0x17: {  	s4 =	simm.s32 $0x1BF5;
	[smem:$0x3FBB] =	sst s0  }
0x18: {  	s0 =	sld [smem:$0x3F9E];
	_ =	swait.ge [sflag:s4], $0x0  }
0x19: {  	s7 =	sld [smem:$0x3F9F]  }
0x1a: {  	s8 =	sadd.s32 $0xFFFFE003, lr  }
0x1b: {  	s9 =	sadd.s32 $0xFFFFFEF7, lr;
	s5 =	simm.s32 $0xFFFFFFFF;
	p2 =	slt.u32 s8, $0xFFFFF086  }
0x1c: {  	p1 =	slt.u32 s9, $0xF7A;
	s5 =	simm.s32 @!p2 $0x0  }
0x1d: {  	s5 =	simm.s32 @p1 $0x1;
	p0 =	seq.s32 s7, s2  }
0x1e: {  	s7 =	smul.u32 @!p0 $0xF7A, s2;
	p2 =	seq.s32 @!p0 s5, $0x0  }
0x1f: {  	s9 =	smul.u32 $0xF7A, s1;
	s8 =	simm.s32 @!p0 $0x1BF5;
	p2 =	por !p2, p0  }
0x20: {  	[sflag:s8] =	ssyncset.s32 @!p0 $0xFFFFF086;
	s6 =	sadd.s32 @!p0 s3, s7;
	s7 =	simm.s32 @!p0 $0x108  }
0x21: {  	s3 =	sadd.s32 s3, s9;
	s6 =	sadd.s32 @!p0 $0x88, s6;
	s7 =	simm.s32 @p2 $0x1082  }
0x22: {  	[simem:s7], [sflag:s8] =	dma.local @!p0 [hbm:s6], $0xF7A  }
0x23: {  	s9 =	sor.u32 $0xD0000000, s2;
	s6 =	simm.s32 $0x108;
	_ =	swait.ge @!p0 [sflag:s8], $0x0  }
0x24: {  	s3 =	sadd.s32 $0x88, s3;
	s6 =	simm.s32 @!p1 $0x1082;
	[sflag:s4] =	ssyncset.s32 $0xFFFFF086  }
0x25: {  	[simem:s6], [sflag:s4] =	dma.local [hbm:s3], $0xF7A  }
0x26: {  	[smem:$0x3F9F] =	sst s1;
	(tag) =	ssettag s2;
	_ =	strace s9  }
0x27: {  	s1 =	sld [smem:$0x3FAF]  }
0x28: {  	s2 =	sld [smem:$0x3FB0]  }
0x29: {  	s4 =	sld [smem:$0x3FB2]  }
0x2a: {  	p0 =	seq.s32 s5, $0x0;
	s5 =	sld [smem:$0x3FB3]  }
0x2b: {  	s6 =	sld [smem:$0x3FB4]  }
0x2c: {  	s7 =	sld [smem:$0x3FB5]  }
0x2d: {  	s3 =	simm.s32 $0x108;
	s8 =	sld [smem:$0x3FB6]  }
0x2e: {  	s3 =	simm.s32 @!p0 $0x1082;
	s9 =	sld [smem:$0x3FB7]  }
0x2f: {  	lr =	sadd.s32 s0, s3;
	s0 =	sld [smem:$0x3FAE]  }
0x30: {  	s3 =	sld [smem:$0x3FB1]  }
0x31: {  	[smem:$0x3FBA] =	sst s10  }
0x32: {  	s10 =	sld [smem:$0x3FB8];
	_ =	sdelay $0x3  }
0x33: {  	p0 =	seq.s32 s10, $0x1;
	s10 =	sld [smem:$0x3FBA];
	_ =	sdelay $0x3  }
0x34: {  	[smem:$0x3FBA] =	sst s10  }
0x35: {  	s10 =	sld [smem:$0x3FB9];
	_ =	sdelay $0x3  }
0x36: {  	p1 =	seq.s32 s10, $0x1;
	s10 =	sld [smem:$0x3FBA];
	_ =	sdelay $0x3  }
0x37: {  	[smem:$0x3FBA] =	sst s10  }
0x38: {  	s10 =	sld [smem:$0x3FBB]  }
0x39: {  	_ = 	snop;
	(pc) =	sbr.ind lr, $3  }
0x3a: {  	_ = 	snop  }
0x3b: {  	_ = 	snop  }
0x3c: {  	p2 =	seq.s32 s10, $0x1;
	s10 =	sld [smem:$0x3FBA]  }
0x3d: {  	_ =	shalt  }
0x3e: {  	_ =	shalt  }
0x3f: {  	_ =	shalt  }
0x40: {  	_ =	shalt  }
0x41: {  	_ =	shalt  }
0x42: {  	_ =	shalt  }
0x43: {  	_ =	shalt  }
0x44: {  	_ =	shalt  }
0x45: {  	_ =	shalt  }
0x46: {  	_ =	shalt  }
0x47: {  	_ =	shalt  }
0x48: {  	_ =	shalt  }
0x49: {  	_ =	shalt  }
0x4a: {  	_ =	shalt  }
0x4b: {  	_ =	shalt  }
0x4c: {  	_ =	shalt  }
0x4d: {  	_ =	shalt  }
0x4e: {  	_ =	shalt  }
0x4f: {  	_ =	shalt  }
0x50: {  	_ =	shalt  }
0x51: {  	_ =	shalt  }
0x52: {  	_ =	shalt  }
0x53: {  	_ =	shalt  }
0x54: {  	_ =	shalt  }
0x55: {  	_ =	shalt  }
0x56: {  	_ =	shalt  }
0x57: {  	_ =	shalt  }
0x58: {  	_ =	shalt  }
0x59: {  	_ =	shalt  }
0x5a: {  	_ =	shalt  }
0x5b: {  	_ =	shalt  }
0x5c: {  	_ =	shalt  }
0x5d: {  	_ =	shalt  }
0x5e: {  	_ =	shalt  }
0x5f: {  	_ =	shalt  }
0x60: {  	_ =	shalt  }
0x61: {  	_ =	shalt  }
0x62: {  	_ =	shalt  }
0x63: {  	_ =	shalt  }
0x64: {  	_ =	shalt  }
0x65: {  	_ =	shalt  }
0x66: {  	_ =	shalt  }
0x67: {  	_ =	shalt  }
0x68: {  	_ =	shalt  }
0x69: {  	_ =	shalt  }
0x6a: {  	_ =	shalt  }
0x6b: {  	_ =	shalt  }
0x6c: {  	_ =	shalt  }
0x6d: {  	_ =	shalt  }
0x6e: {  	_ =	shalt  }
0x6f: {  	_ =	shalt  }
0x70: {  	_ =	shalt  }
0x71: {  	_ =	shalt  }
0x72: {  	_ =	shalt  }
0x73: {  	_ =	shalt  }
0x74: {  	_ =	shalt  }
0x75: {  	_ =	shalt  }
0x76: {  	_ =	shalt  }
0x77: {  	_ =	shalt  }
0x78: {  	_ =	shalt  }
0x79: {  	_ =	shalt  }
0x7a: {  	_ =	shalt  }
0x7b: {  	_ =	shalt  }
0x7c: {  	_ =	shalt  }
0x7d: {  	_ =	shalt  }
0x7e: {  	_ =	shalt  }
0x7f: {  	_ =	shalt  }
0x80: {  	_ =	shalt  }
0x81: {  	_ =	shalt  }
0x82: {  	_ =	shalt  }
0x83: {  	_ =	shalt  }
0x84: {  	_ =	shalt  }
0x85: {  	_ =	shalt  }
0x86: {  	_ =	shalt  }
0x87: {  	_ =	shalt  }
.Lfunc_end0:
.L_simem_size_0:
called_computation_lowered:
.L_overlay_start_0:
0x88: {  	s2 =	sld [smem:$0x3FD9]  }
0x89: {  	s3 =	sld [smem:$0x3FFE];
	_ =	sdelay $0x1  }
0x8a: {  	s1 =	srdreg.scid  }
0x8b: {  	s0 =	sand.u32 $0x1, s1  }
0x8c: {  	s17 =	sshll.u32 s0, $0xA;
	s2 =	sadd.s32 s3, s2  }
0x8d: {  	s2 =	sadd.s32 s2, s17  }
0x8e: {  	[smem:$0x3FC6] =	sst s2  }
0x8f: {  	_ = 	snop  }
0x90: {  	s2 =	sld [smem:$0x3FD0];
	(tm) =	ssettm $0x1  }
0x91: {  	s18 =	sld [smem:$0x3FFB];
	_ =	sdelay $0x3  }
0x92: {  	_ =	strace s18  }
0x93: {  	s3 =	sld [smem:$0x3FFC];
	_ =	sdelay $0x3  }
0x94: {  	_ =	strace s3  }
0x95: {  	s3 =	sld [smem:$0x3FFD];
	_ =	sdelay $0x3  }
0x96: {  	_ =	strace s3  }
0x97: {  	_ =	strace $0x8FFFFFFF  }
0x98: {  	s19 =	sld [smem:$0x3FDB];
	_ =	sdelay $0x1  }
0x99: {  	s4 =	simm.s32 $_scs_section_size  }
0x9a: {  	s5 =	simm.s32 $_size__tile_overlayer_lowered;
	s6 =	simm.s32 $_tile_overlayer_lowered  }
0x9b: {  	s22 =	simm.s32 $0x1BFF;
	s21 =	sshll.u32 s6, $0x1;
	s3 =	sadd.s32 s4, s19  }
0x9c: {  	s7 =	simm.s32 $0x0;
	s20 =	sshll.u32 s5, $0x1;
	s5 =	sadd.s32 s21, s3  }
0x9d: {  	[timem:s7], [sflag:s22] =	dma.local [hbm:s5], s20  }
0x9e: {  	_ =	swait.ge [sflag:s22], s20  }
0x9f: {  	s4 =	ssub.s32 $0x0, s20;
	[sflag:s22] =	ssyncset.done $0x0  }
0xa0: {  	[sflag:s22] =	ssyncadd.s32 s4;
	_ =	sdelay $0x1  }
0xa1: {  	s23 =	simm.s32 $0x1B8B  }
0xa2: {  	_ =	swait.ge [sflag:s23], $0x1  }
0xa3: {  	[sflag:s23] =	ssyncset.done $0x0  }
0xa4: {  	s25 =	simm.s32 $0x1B8E;
	s24 =	sld [smem:$0x3FFE];
	[sflag:s23] =	ssyncadd.s32 $0xFFFFFFFF  }
0xa5: {  	s26 =	simm.s32 $execute0_lowered;
	[smem:$0x3FD2] =	sst s25  }
0xa6: {  	s5 =	sshll.u32 s26, $0x1;
	_ =	strace $0x80000046;
	[dreg:$0x1] =	wrdreg $0xFFFFFFFF  }
0xa7: {  	s28 =	simm.s32 $_size_execute0_lowered;
	s3 =	sadd.s32 s3, s5;
	[dreg:$0x0] =	wrdreg $0x0  }
0xa8: {  	s5 =	sshll.u32 s28, $0x1;
	[dreg:$0x2] =	wrdreg s3  }
0xa9: {  	[dreg:$0x3] =	wrdreg s5  }
0xaa: {  	[dreg:$0x4] =	wrdreg $0xC0  }
0xab: {  	_ =	task [dreg:s7], $0x5FFFF  }
0xac: {  	[dreg:$0x1] =	wrdreg $0xFFFFFFFF  }
0xad: {  	[dreg:$0x0] =	wrdreg $0x60  }
0xae: {  	[dreg:$0x2] =	wrdreg s24  }
0xaf: {  	[dreg:$0x3] =	wrdreg s2  }
0xb0: {  	[dreg:$0x4] =	wrdreg $0x9  }
0xb1: {  	_ =	task.clear_ibuf [dreg:s7], $0x5FFFF;
	_ =	strace $0x90000046  }
0xb2: {  	s29 =	simm.s32 $0x9;
	_ =	strace $0x80000048  }
0xb3: {  	_ =	swait.ge [sflag:s29], $0x1  }
0xb4: {  	[sflag:s29] =	ssyncadd.s32 $0xFFFFFFFF  }
0xb5: {  	_ =	strace $0x90000048  }
0xb6: {  	_ =	sfence  }
0xb7: {  	s30 =	sld [smem:$0x0];
	_ =	sdelay $0x2  }
0xb8: {  	s31 =	sshll.u32 s1, $0xD;
	s1 =	sshrl.u32 s1, $0x2  }
0xb9: {  	s3 =	sand.u32 $0x4000, s31;
	s1 =	sadd.s32 s1, s30  }
0xba: {  	s0 =	sor.u32 s3, s0;
	s1 =	sshll.u32 s1, $0x11  }
0xbb: {  	s0 =	sor.u32 s1, s0  }
0xbc: {  	s0 =	sadd.s32 $0x8F2B, s0  }
0xbd: {  	[sflag:s0] =	ssyncadd.remote.s32 $0x1  }
0xbe: {  	_ =	sfence.sel $0xFFFF  }
0xbf: {  	[dreg:$0x0] =	wrdreg $0xFFFFFFFF;
	(pc) =	sbr.abs _section_cstart, $3  }
0xc0: {  	[dreg:$0x1] =	wrdreg $0xFFFFFFFF  }
0xc1: {  	_ =	task.clear_ibuf [dreg:s7], $0x2FFFF;
	_ =	strace $0x9FFFFFFF  }
0xc2: {  	(tm) =	ssettm $0x7FFFFFFF  }
0xc3: {  	_ =	shalt  }
tec
execute0_lowered:
.L_overlay_start_1:
0x0: {  	(tag) =	ssettag $0x1  }
0x1: {  	v0 =	vimm.s32 $0x3020100;
	vm0 =	vcmask $0xF00;
	vm6 =	vcmask $0x1310  }
0x2: {  	vm5 =	vcmask $0x1714;
	vm4 =	vcmask $0x1B18;
	vm1 =	vcmask $0x1F1C  }
0x3: {  	vm2 =	vcmask $0x2724;
	vm3 =	vcmask $0x2B28;
	v3 =	vimm.s32 $0x36B3  }
0x4: {  	vm7 =	vcmask $0x300;
	vm8 =	vcmask $0x704;
	vm9 =	vcmask $0xB08  }
0x5: {  	v4 =	vimm.s32 $0x55F3;
	vm10 =	vcmask $0xF0C;
	vm12 =	vcmask $0x2F2C  }
0x6: {  	vm13 =	vcmask $0x3330;
	vm14 =	vcmask $0x3734;
	vm15 =	vcmask $0x3B38  }
0x7: {  	v5 =	vimm.s32 $0xFEDCCCC;
	v9 =	vimm.s32 $0x10131211;
	v10 =	vimm.s32 $0x14171615  }
0x8: {  	v0 =	vunpack.c.0.s8.s32 v0;
	v3 =	vsel vm7, $0x1F40, v3;
	v4 =	vsel vm7, $0x3E80, v4  }
0x9: {  	v5 =	vunpack.c.l.s4.s8 v5;
	v9 =	vunpack.c.0.s8.s32 v9;
	v10 =	vunpack.c.0.s8.s32 v10  }
0xa: {  	v3 =	vsel vm8, $0x1F41, v3;
	v4 =	vsel vm8, $0x3E81, v4;
	v0 =	vnsel vm0, $0x1773, v0  }
0xb: {  	vm0 =	vcmask $0x2320;
	v3 =	vsel vm9, $0x1F42, v3;
	v4 =	vsel vm9, $0x3E82, v4  }
0xc: {  	v8 =	vunpack.c.0.s8.s32 v5;
	v0 =	vsel vm6, $0x7D0, v0;
	v3 =	vsel vm10, $0x1F43, v3  }
0xd: {  	v4 =	vsel vm10, $0x3E83, v4;
	v0 =	vsel vm5, $0x7D1, v0;
	v3 =	vsel vm6, $0x2710, v3  }
0xe: {  	v4 =	vsel vm6, $0x4650, v4;
	v8 =	vand.u32 $0xF, v8;
	v0 =	vsel vm4, $0x7D2, v0  }
0xf: {  	v3 =	vsel vm5, $0x2711, v3;
	v4 =	vsel vm5, $0x4651, v4;
	v1 =	vsel vm1, $0x7D3, v0  }
0x10: {  	v0 =	vlaneseq.u32;
	v3 =	vsel vm4, $0x2712, v3;
	v4 =	vsel vm4, $0x4652, v4  }
0x11: {  	v2 =	vsel vm0, $0xFA0, v1;
	v14 =	vshrl.u32 v0, $0x2;
	v3 =	vsel vm1, $0x2713, v3  }
0x12: {  	v4 =	vsel vm1, $0x4653, v4;
	v5 =	vor.u32 $0x10, v0;
	v11 =	vand.u32 $0x3, v0  }
0x13: {  	v12 =	vor.u32 $0x8000, v0;
	v53 =	vor.u32 $0x8010, v0;
	v51 =	vor.u32 $0x8030, v0  }
0x14: {  	s4 =	rddreg [dreg:$0x0];
	s3 =	srdreg.scid;
	v2 =	vsel vm2, $0xFA1, v2;
	v3 =	vsel vm0, $0x2EE0, v3;
	v4 =	vsel vm0, $0x4E20, v4  }
0x15: {  	s1 =	rddreg [dreg:$0x1];
	s5 =	sand.u32 $0x1, s3;
	s3 =	simm.s32 $0x0;
	vm0 =	vcmask $0x1B00;
	v56 =	vor.u32 $0x5DC0, v11;
	v11 =	vor.u32 $0x30, v0  }
0x16: {  	[smem:$0x7FF] =	sst s3;
	v2 =	vsel vm3, $0xFA2, v2;
	v3 =	vsel vm2, $0x2EE1, v3;
	v4 =	vsel vm2, $0x4E21, v4  }
0x17: {  	s0 =	rddreg [dreg:$0x2];
	_ =	strace $0x80000047;
	[tilespmem:$0x1FF80] =	vst v5;
	v8 =	vnsel vm0, $0x18, v8;
	vm0 =	vcmask $0x2B1C;
	v3 =	vsel vm3, $0x2EE2, v3  }
0x18: {  	[tilespmem:$0x1FFA0] =	vst v11;
	v4 =	vsel vm3, $0x4E22, v4;
	v9 =	vsel vm0, v9, v8;
	v3 =	vsel vm12, $0x2EE3, v3  }
0x19: {  	s2 =	stileid.u32;
	[tilespmem:$0x1FFF0] =	vst v56;
	vm0 =	vcmask $0x3B2C;
	v8 =	vor.u32 $0x20, v0;
	v6 =	vsel vm13, $0x36B0, v3  }
0x1a: {  	s8 =	simm.s32 $0x8000;
	s6 =	sshll.u32 s2, $0xE;
	s7 =	sshll.u32 s5, $0xD;
	v7 =	vsel vm12, $0x4E23, v4;
	v46 =	vsel vm0, v10, v9;
	[tilespmem:$0x1FF90] =	vst v8;
	v6 =	vsel vm14, $0x36B1, v6  }
0x1b: {  	s9 =	simm.s32 $0x1;
	s5 =	ssub.s32 $0x2, s5;
	s6 =	sor.u32 s7, s6;
	v2 =	vsel vm12, $0xFA3, v2;
	v7 =	vsel vm13, $0x55F0, v7;
	[tilespmem:$0x1FFE0] =	vst v46;
	v55 =	vsel vm15, $0x36B2, v6  }
0x1c: {  	s10 =	simm.s32 $0xE600;
	s30 =	sshrl.u32 s5, $0x1;
	s6 =	sadd.s32 s6, s4;
	v2 =	vsel vm13, $0x1770, v2;
	v7 =	vsel vm14, $0x55F1, v7;
	v6 =	vor.u32 $0x8, v14;
	[tilespmem:$0x1FFB0] =	vst v55  }
0x1d: {  	s11 =	simm.s32 $0x0;
	s31 =	ssub.s32 s5, s30;
	s4 =	sadd.s32 $0x600, s6;
	vm0 =	vmmov $0xf;
	v2 =	vsel vm14, $0x1771, v2;
	v7 =	vsel vm15, $0x55F2, v7;
	[tilespmem:$0x1FFC0] =	vst v6  }
0x1e: {  	s5 =	sadd.s32 $0x1600, s6;
	s6 =	sadd.s32 $0x40600, s6;
	s7 =	smax.u32 s31, $0x1;
	v9 =	vor.u32 $0x8020, v0;
	v3 =	vor.u32 $0x4, v14;
	v15 =	vsel vm15, $0x1772, v2;
	[tilespmem:$0x1FFD0] =	vst v7  }
.LBB2_1:
0x1f: {  	[tilespmem:s8], [sflag:$0x1] =	stream.linear.gather [hbm4b:s1+s3], $0x6600, $0x38;
	[tilespmem:$0x1E600] =	vst v63  }
0x20: {  	_ =	swait.ge [sflag:s9], $0x6600  }
0x21: {  	s22 =	simm.s32 $0x80;
	[sflag:s9] =	ssyncset.done $0x0  }
0x22: {  	s24 =	simm.s32 $0x100;
	s28 =	simm.s32 $0x180;
	v16 =	vor.u32 s22, v14;
	[sflag:s9] =	ssyncadd.s32 $0xFFFF9A00  }
0x23: {  	v17 =	vor.u32 s24, v14;
	[tilespmem:s3], [sflag:$0x1] =	stream.linear.gather [hbm4b:s4+s3], $0x8000, $0x38;
	[tilespmem:$0x1E600] =	vst v63  }
0x24: {  	s25 =	simm.s32 $0x200;
	v18 =	vor.u32 s28, v14;
	_ =	swait.ge [sflag:s9], $0x8000  }
0x25: {  	s26 =	simm.s32 $0x280;
	v19 =	vor.u32 s25, v14;
	[sflag:s9] =	ssyncset.done $0x0  }
0x26: {  	s23 =	simm.s32 $0x380;
	v20 =	vor.u32 s26, v14;
	[sflag:s9] =	ssyncadd.s32 $0xFFFF8000  }
0x27: {  	v21 =	vor.u32 s23, v14;
	v16 =	vld.idx.msk [tilespmem:v16+s3+$0x0], $0xffff  }
0x28: {  	v17 =	vld.idx.msk [tilespmem:v17+s3+$0x0], $0xffff  }
0x29: {  	v18 =	vld.idx.msk [tilespmem:v18+s3+$0x0], $0xffff  }
0x2a: {  	v19 =	vld.idx.msk [tilespmem:v19+s3+$0x0], $0xffff  }
0x2b: {  	s12 =	simm.s32 $0x300;
	v20 =	vld.idx.msk [tilespmem:v20+s3+$0x0], $0xffff  }
0x2c: {  	v22 =	vor.u32 s12, v14;
	v21 =	vld.idx.msk [tilespmem:v21+s3+$0x0], $0xffff;
	v16 =	vshll.u32 v16, $0x2  }
0x2d: {  	v17 =	vshll.u32 v17, $0x2;
	v16 =	vadd.s32 v15, v16  }
0x2e: {  	v18 =	vshll.u32 v18, $0x2;
	v17 =	vadd.s32 v15, v17  }
0x2f: {  	v19 =	vshll.u32 v19, $0x2;
	v18 =	vadd.s32 v15, v18  }
0x30: {  	v20 =	vshll.u32 v20, $0x2;
	v19 =	vadd.s32 v15, v19  }
0x31: {  	v22 =	vld.idx.msk [tilespmem:v22+s3+$0x0], $0xffff;
	v21 =	vshll.u32 v21, $0x2;
	v20 =	vadd.s32 v15, v20  }
0x32: {  	v23 =	vor.u32 s22, v0;
	v21 =	vadd.s32 v15, v21;
	v16 =	vld.idx.msk [tilespmem:v16+s8+$0x0], $0xffff  }
0x33: {  	v24 =	vor.u32 s22, v3;
	v25 =	vor.u32 s24, v0;
	v17 =	vld.idx.msk [tilespmem:v17+s8+$0x0], $0xffff  }
0x34: {  	v26 =	vor.u32 s28, v0;
	v27 =	vor.u32 s24, v3;
	v18 =	vld.idx.msk [tilespmem:v18+s8+$0x0], $0xffff  }
0x35: {  	v28 =	vor.u32 s28, v3;
	v29 =	vor.u32 s25, v0;
	v19 =	vld.idx.msk [tilespmem:v19+s8+$0x0], $0xffff  }
0x36: {  	v30 =	vor.u32 s25, v3;
	v20 =	vld.idx.msk [tilespmem:v20+s8+$0x0], $0xffff  }
0x37: {  	v31 =	vor.u32 s26, v0;
	v21 =	vld.idx.msk [tilespmem:v21+s8+$0x0], $0xffff;
	[tilespmem:v23+s10+$0x0] =	vst.idx.msk $0xffff, v16  }
0x38: {  	v16 =	vor.u32 s26, v3;
	[tilespmem:v25+s10+$0x0] =	vst.idx.msk $0xffff, v17;
	v17 =	vor.u32 s23, v0;
	v23 =	vld.idx.msk [tilespmem:v24+s3+$0x0], $0xffff  }
0x39: {  	[tilespmem:v26+s10+$0x0] =	vst.idx.msk $0xffff, v18;
	v18 =	vor.u32 s23, v3;
	v24 =	vld.idx.msk [tilespmem:v27+s3+$0x0], $0xffff  }
0x3a: {  	[tilespmem:v29+s10+$0x0] =	vst.idx.msk $0xffff, v19;
	v25 =	vld.idx.msk [tilespmem:v28+s3+$0x0], $0xffff  }
0x3b: {  	v22 =	vshll.u32 v22, $0x2;
	v19 =	vld.idx.msk [tilespmem:v30+s3+$0x0], $0xffff  }
0x3c: {  	s13 =	simm.s32 $0x0;
	v22 =	vadd.s32 v15, v22;
	[tilespmem:v31+s10+$0x0] =	vst.idx.msk $0xffff, v20  }
0x3d: {  	v20 =	vor.u32 s13, v14;
	v16 =	vld.idx.msk [tilespmem:v16+s3+$0x0], $0xffff;
	[tilespmem:v17+s10+$0x0] =	vst.idx.msk $0xffff, v21;
	v17 =	vshll.u32 v23, $0x2  }
0x3e: {  	v18 =	vld.idx.msk [tilespmem:v18+s3+$0x0], $0xffff;
	v21 =	vshll.u32 v24, $0x2;
	v17 =	vadd.s32 v55, v17  }
0x3f: {  	v23 =	vshll.u32 v25, $0x2;
	v21 =	vadd.s32 v55, v21  }
0x40: {  	v19 =	vshll.u32 v19, $0x2;
	v23 =	vadd.s32 v55, v23  }
0x41: {  	v22 =	vld.idx.msk [tilespmem:v22+s8+$0x0], $0xffff;
	v24 =	vor.u32 s12, v0;
	v19 =	vadd.s32 v55, v19  }
0x42: {  	v20 =	vld.idx.msk [tilespmem:v20+s3+$0x0], $0xffff;
	v25 =	vor.u32 s12, v3;
	v16 =	vshll.u32 v16, $0x2  }
0x43: {  	v26 =	vor.u32 s22, v5;
	v16 =	vadd.s32 v55, v16;
	v18 =	vshll.u32 v18, $0x2;
	v17 =	vld.idx.msk [tilespmem:v17+s8+$0x0], $0xffff  }
0x44: {  	v27 =	vor.u32 s24, v5;
	v21 =	vld.idx.msk [tilespmem:v21+s8+$0x0], $0xffff;
	v18 =	vadd.s32 v55, v18  }
0x45: {  	v28 =	vor.u32 s22, v6;
	v30 =	vor.u32 s28, v5;
	v23 =	vld.idx.msk [tilespmem:v23+s8+$0x0], $0xffff  }
0x46: {  	v32 =	vor.u32 s25, v5;
	v29 =	vor.u32 s24, v6;
	[tilespmem:v24+s10+$0x0] =	vst.idx.msk $0xffff, v22;
	v19 =	vld.idx.msk [tilespmem:v19+s8+$0x0], $0xffff  }
0x47: {  	v22 =	vor.u32 s25, v6;
	v24 =	vld.idx.msk [tilespmem:v25+s3+$0x0], $0xffff  }
0x48: {  	v31 =	vor.u32 s28, v6;
	v16 =	vld.idx.msk [tilespmem:v16+s8+$0x0], $0xffff;
	[tilespmem:v26+s10+$0x0] =	vst.idx.msk $0xffff, v17  }
0x49: {  	v25 =	vor.u32 s26, v5;
	v17 =	vld.idx.msk [tilespmem:v18+s8+$0x0], $0xffff;
	[tilespmem:v27+s10+$0x0] =	vst.idx.msk $0xffff, v21  }
0x4a: {  	v18 =	vor.u32 s26, v6;
	v21 =	vor.u32 s23, v5;
	[tilespmem:v30+s10+$0x0] =	vst.idx.msk $0xffff, v23;
	v26 =	vld.idx.msk [tilespmem:v28+s3+$0x0], $0xffff  }
0x4b: {  	v23 =	vor.u32 s23, v6;
	[tilespmem:v32+s10+$0x0] =	vst.idx.msk $0xffff, v19;
	v27 =	vld.idx.msk [tilespmem:v29+s3+$0x0], $0xffff  }
0x4c: {  	v19 =	vshll.u32 v20, $0x2;
	v20 =	vld.idx.msk [tilespmem:v22+s3+$0x0], $0xffff  }
0x4d: {  	v28 =	vld.idx.msk [tilespmem:v31+s3+$0x0], $0xffff  }
0x4e: {  	[tilespmem:v25+s10+$0x0] =	vst.idx.msk $0xffff, v16;
	v16 =	vadd.s32 v15, v19;
	v19 =	vshll.u32 v24, $0x2  }
0x4f: {  	v18 =	vld.idx.msk [tilespmem:v18+s3+$0x0], $0xffff;
	v19 =	vadd.s32 v55, v19;
	[tilespmem:v21+s10+$0x0] =	vst.idx.msk $0xffff, v17;
	v17 =	vshll.u32 v26, $0x2  }
0x50: {  	v21 =	vld.idx.msk [tilespmem:v23+s3+$0x0], $0xffff;
	v22 =	vshll.u32 v27, $0x2;
	v17 =	vadd.s32 v7, v17  }
0x51: {  	v20 =	vshll.u32 v20, $0x2;
	v22 =	vadd.s32 v7, v22  }
0x52: {  	v23 =	vshll.u32 v28, $0x2;
	v20 =	vadd.s32 v7, v20  }
0x53: {  	v24 =	vor.u32 s13, v0;
	v23 =	vadd.s32 v7, v23;
	v16 =	vld.idx.msk [tilespmem:v16+s8+$0x0], $0xffff  }
0x54: {  	v25 =	vor.u32 s13, v3;
	v18 =	vshll.u32 v18, $0x2;
	v19 =	vld.idx.msk [tilespmem:v19+s8+$0x0], $0xffff  }
0x55: {  	v30 =	vor.u32 s12, v5;
	v26 =	vadd.s32 v7, v18;
	v18 =	vld.idx.msk [tilespmem:v17+s8+$0x0], $0xffff;
	v17 =	vshll.u32 v21, $0x2  }
0x56: {  	v21 =	vld.idx.msk [tilespmem:v22+s8+$0x0], $0xffff;
	v22 =	vor.u32 s24, v8;
	v17 =	vadd.s32 v7, v17  }
0x57: {  	v29 =	vor.u32 s25, v8;
	v27 =	vor.u32 s24, v46;
	v20 =	vld.idx.msk [tilespmem:v20+s8+$0x0], $0xffff  }
0x58: {  	v31 =	vor.u32 s25, v46;
	v23 =	vld.idx.msk [tilespmem:v23+s8+$0x0], $0xffff;
	[tilespmem:v24+s10+$0x0] =	vst.idx.msk $0xffff, v16  }
0x59: {  	v45 =	vor.u32 s12, v6;
	v28 =	vor.u32 s28, v8;
	v25 =	vld.idx.msk [tilespmem:v25+s3+$0x0], $0xffff  }
0x5a: {  	s19 =	simm.s32 $0x580;
	v24 =	vor.u32 s28, v46;
	[tilespmem:v30+s10+$0x0] =	vst.idx.msk $0xffff, v19;
	v26 =	vld.idx.msk [tilespmem:v26+s8+$0x0], $0xffff  }
0x5b: {  	s20 =	simm.s32 $0x700;
	v19 =	vor.u32 s19, v14;
	[tilespmem:v22+s10+$0x0] =	vst.idx.msk $0xffff, v21;
	v17 =	vld.idx.msk [tilespmem:v17+s8+$0x0], $0xffff  }
0x5c: {  	v33 =	vor.u32 s26, v8;
	v50 =	vor.u32 s20, v14;
	[tilespmem:v29+s10+$0x0] =	vst.idx.msk $0xffff, v20;
	v16 =	vld.idx.msk [tilespmem:v27+s3+$0x0], $0xffff  }
0x5d: {  	s14 =	simm.s32 $0x480;
	v21 =	vor.u32 s26, v46;
	v20 =	vld.idx.msk [tilespmem:v31+s3+$0x0], $0xffff  }
0x5e: {  	s15 =	simm.s32 $0x500;
	[tilespmem:v28+s10+$0x0] =	vst.idx.msk $0xffff, v23;
	v22 =	vor.u32 s14, v14;
	v27 =	vld.idx.msk [tilespmem:v45+s3+$0x0], $0xffff  }
0x5f: {  	s17 =	simm.s32 $0x680;
	v23 =	vor.u32 s15, v14;
	v24 =	vld.idx.msk [tilespmem:v24+s3+$0x0], $0xffff  }
0x60: {  	s16 =	simm.s32 $0x780;
	v28 =	vor.u32 s23, v8;
	v29 =	vor.u32 s17, v14;
	v19 =	vld.idx.msk [tilespmem:v19+s3+$0x0], $0xffff  }
0x61: {  	s18 =	simm.s32 $0x600;
	v31 =	vor.u32 s16, v14;
	[tilespmem:v33+s10+$0x0] =	vst.idx.msk $0xffff, v26;
	v33 =	vld.idx.msk [tilespmem:v50+s3+$0x0], $0xffff  }
0x62: {  	v26 =	vor.u32 s18, v14;
	v21 =	vld.idx.msk [tilespmem:v21+s3+$0x0], $0xffff  }
0x63: {  	v30 =	vor.u32 s23, v46;
	v25 =	vshll.u32 v25, $0x2;
	v22 =	vld.idx.msk [tilespmem:v22+s3+$0x0], $0xffff  }
0x64: {  	v25 =	vadd.s32 v55, v25;
	v23 =	vld.idx.msk [tilespmem:v23+s3+$0x0], $0xffff;
	v48 =	vshll.u32 v20, $0x2  }
0x65: {  	[tilespmem:v28+s10+$0x0] =	vst.idx.msk $0xffff, v17;
	v28 =	vld.idx.msk [tilespmem:v29+s3+$0x0], $0xffff;
	v47 =	vshll.u32 v24, $0x2;
	v29 =	vadd.s32 v56, v48  }
0x66: {  	v31 =	vld.idx.msk [tilespmem:v31+s3+$0x0], $0xffff;
	v32 =	vadd.s32 v56, v47;
	v19 =	vshll.u32 v19, $0x2  }
0x67: {  	v26 =	vld.idx.msk [tilespmem:v26+s3+$0x0], $0xffff;
	v19 =	vadd.s32 v15, v19;
	v49 =	vshll.u32 v21, $0x2  }
0x68: {  	v17 =	vld.idx.msk [tilespmem:v30+s3+$0x0], $0xffff;
	v22 =	vshll.u32 v22, $0x2;
	v30 =	vadd.s32 v56, v49  }
0x69: {  	v54 =	vor.u32 s13, v5;
	v25 =	vld.idx.msk [tilespmem:v25+s8+$0x0], $0xffff;
	v23 =	vshll.u32 v23, $0x2;
	v22 =	vadd.s32 v15, v22  }
0x6a: {  	v23 =	vadd.s32 v15, v23;
	v28 =	vshll.u32 v28, $0x2;
	v29 =	vld.idx.msk [tilespmem:v29+s8+$0x0], $0xffff  }
0x6b: {  	v31 =	vshll.u32 v31, $0x2;
	v28 =	vadd.s32 v15, v28;
	v32 =	vld.idx.msk [tilespmem:v32+s8+$0x0], $0xffff  }
0x6c: {  	v31 =	vadd.s32 v15, v31;
	v26 =	vshll.u32 v26, $0x2;
	v19 =	vld.idx.msk [tilespmem:v19+s8+$0x0], $0xffff  }
0x6d: {  	v60 =	vor.u32 s22, v8;
	v26 =	vadd.s32 v15, v26;
	v30 =	vld.idx.msk [tilespmem:v30+s8+$0x0], $0xffff  }
0x6e: {  	v37 =	vor.u32 s19, v0;
	[tilespmem:v54+s10+$0x0] =	vst.idx.msk $0xffff, v25;
	v25 =	vor.u32 s22, v46;
	v22 =	vld.idx.msk [tilespmem:v22+s8+$0x0], $0xffff  }
0x6f: {  	v34 =	vor.u32 s14, v0;
	v39 =	vor.u32 s19, v3;
	v23 =	vld.idx.msk [tilespmem:v23+s8+$0x0], $0xffff  }
0x70: {  	v35 =	vor.u32 s14, v3;
	v36 =	vor.u32 s15, v0;
	v28 =	vld.idx.msk [tilespmem:v28+s8+$0x0], $0xffff  }
0x71: {  	s21 =	simm.s32 $0x400;
	v38 =	vor.u32 s15, v3;
	v42 =	vor.u32 s17, v0;
	v31 =	vld.idx.msk [tilespmem:v31+s8+$0x0], $0xffff  }
0x72: {  	v40 =	vor.u32 s18, v0;
	v59 =	vor.u32 s21, v14;
	[tilespmem:v60+s10+$0x0] =	vst.idx.msk $0xffff, v18;
	v26 =	vld.idx.msk [tilespmem:v26+s8+$0x0], $0xffff  }
0x73: {  	v41 =	vor.u32 s18, v3;
	[tilespmem:v37+s10+$0x0] =	vst.idx.msk $0xffff, v19;
	v25 =	vld.idx.msk [tilespmem:v25+s3+$0x0], $0xffff  }
0x74: {  	v27 =	vshll.u32 v27, $0x2;
	v58 =	vld.idx.msk [tilespmem:v39+s3+$0x0], $0xffff;
	[tilespmem:v34+s10+$0x0] =	vst.idx.msk $0xffff, v22;
	v22 =	vor.u32 s17, v3  }
0x75: {  	v27 =	vadd.s32 v7, v27;
	[tilespmem:v36+s10+$0x0] =	vst.idx.msk $0xffff, v23;
	v23 =	vor.u32 s16, v0;
	v34 =	vld.idx.msk [tilespmem:v35+s3+$0x0], $0xffff  }
0x76: {  	v19 =	vor.u32 s16, v3;
	v52 =	vld.idx.msk [tilespmem:v38+s3+$0x0], $0xffff;
	[tilespmem:v42+s10+$0x0] =	vst.idx.msk $0xffff, v28;
	v28 =	vshll.u32 v33, $0x2  }
0x77: {  	v35 =	vld.idx.msk [tilespmem:v59+s3+$0x0], $0xffff;
	v28 =	vadd.s32 v15, v28;
	[tilespmem:v40+s10+$0x0] =	vst.idx.msk $0xffff, v26  }
0x78: {  	v57 =	vor.u32 s13, v6;
	v26 =	vshll.u32 v16, $0x2;
	v40 =	vld.idx.msk [tilespmem:v41+s3+$0x0], $0xffff  }
0x79: {  	v61 =	vshll.u32 v58, $0x2;
	v26 =	vadd.s32 v56, v26;
	v22 =	vld.idx.msk [tilespmem:v22+s3+$0x0], $0xffff  }
0x7a: {  	[tilespmem:v23+s10+$0x0] =	vst.idx.msk $0xffff, v31;
	v23 =	vld.idx.msk [tilespmem:v27+s8+$0x0], $0xffff;
	v36 =	vadd.s32 v55, v61;
	v27 =	vshll.u32 v34, $0x2  }
0x7b: {  	v19 =	vld.idx.msk [tilespmem:v19+s3+$0x0], $0xffff;
	v31 =	vshll.u32 v52, $0x2;
	v27 =	vadd.s32 v55, v27  }
0x7c: {  	v63 =	vor.u32 s20, v0;
	v31 =	vadd.s32 v55, v31;
	v28 =	vld.idx.msk [tilespmem:v28+s8+$0x0], $0xffff  }
0x7d: {  	v48 =	vor.u32 s20, v3;
	v34 =	vld.idx.msk [tilespmem:v57+s3+$0x0], $0xffff;
	v62 =	vshll.u32 v40, $0x2  }
0x7e: {  	v26 =	vld.idx.msk [tilespmem:v26+s8+$0x0], $0xffff;
	v22 =	vshll.u32 v22, $0x2;
	v18 =	vadd.s32 v55, v62  }
0x7f: {  	v57 =	vor.u32 s19, v5;
	v36 =	vld.idx.msk [tilespmem:v36+s8+$0x0], $0xffff;
	v22 =	vadd.s32 v55, v22  }
0x80: {  	v43 =	vor.u32 s19, v6;
	v19 =	vshll.u32 v19, $0x2;
	v27 =	vld.idx.msk [tilespmem:v27+s8+$0x0], $0xffff  }
0x81: {  	v59 =	vor.u32 s12, v8;
	v62 =	vshll.u32 v25, $0x2;
	v31 =	vld.idx.msk [tilespmem:v31+s8+$0x0], $0xffff;
	v19 =	vadd.s32 v55, v19;
	[tilespmem:v63+s10+$0x0] =	vst.idx.msk $0xffff, v28  }
0x82: {  	v49 =	vor.u32 s14, v5;
	v39 =	vadd.s32 v56, v62;
	v33 =	vld.idx.msk [tilespmem:v48+s3+$0x0], $0xffff  }
0x83: {  	v44 =	vor.u32 s18, v5;
	v50 =	vor.u32 s15, v5;
	v52 =	vor.u32 s14, v6;
	v18 =	vld.idx.msk [tilespmem:v18+s8+$0x0], $0xffff  }
0x84: {  	v60 =	vor.u32 s12, v46;
	v20 =	vcvt.s32.f32 v20;
	v54 =	vor.u32 s15, v6;
	[tilespmem:v57+s10+$0x0] =	vst.idx.msk $0xffff, v36;
	v22 =	vld.idx.msk [tilespmem:v22+s8+$0x0], $0xffff  }
0x85: {  	v58 =	vor.u32 s17, v5;
	v34 =	vshll.u32 v34, $0x2;
	v28 =	vor.u32 s18, v6;
	v63 =	vld.idx.msk [tilespmem:v43+s3+$0x0], $0xffff  }
0x86: {  	v45 =	vor.u32 s25, v11;
	v24 =	vcvt.s32.f32 v24;
	[tilespmem:v59+s10+$0x0] =	vst.idx.msk $0xffff, v23;
	v34 =	vadd.s32 v7, v34;
	v19 =	vld.idx.msk [tilespmem:v19+s8+$0x0], $0xffff  }
0x87: {  	v21 =	vcvt.s32.f32 v21;
	v20 =	vsel vm0, v29, v20;
	[tilespmem:v49+s10+$0x0] =	vst.idx.msk $0xffff, v27;
	v27 =	vor.u32 s17, v6;
	v49 =	vld.idx.msk [tilespmem:v39+s8+$0x0], $0xffff  }
0x88: {  	v47 =	vor.u32 s26, v11;
	v24 =	vsel vm0, v32, v24;
	[tilespmem:v50+s10+$0x0] =	vst.idx.msk $0xffff, v31;
	v31 =	vor.u32 s16, v5;
	v29 =	vld.idx.msk [tilespmem:v52+s3+$0x0], $0xffff  }
0x89: {  	v21 =	vsel vm0, v30, v21;
	v61 =	vor.u32 s16, v6;
	v30 =	vld.idx.msk [tilespmem:v54+s3+$0x0], $0xffff;
	[tilespmem:v44+s10+$0x0] =	vst.idx.msk $0xffff, v18;
	v18 =	vshll.u32 v35, $0x2  }
0x8a: {  	v16 =	vcvt.s32.f32 v16;
	[tilespmem:v58+s10+$0x0] =	vst.idx.msk $0xffff, v22;
	v22 =	vshll.u32 v17, $0x2;
	v28 =	vld.idx.msk [tilespmem:v28+s3+$0x0], $0xffff;
	v23 =	vadd.s32 v15, v18  }
0x8b: {  	v34 =	vld.idx.msk [tilespmem:v34+s8+$0x0], $0xffff;
	v44 =	vor.u32 s28, v11;
	v18 =	vshll.u32 v33, $0x2;
	v22 =	vadd.s32 v56, v22  }
0x8c: {  	v16 =	vsel vm0, v26, v16;
	v52 =	vshll.u32 v63, $0x2;
	v27 =	vld.idx.msk [tilespmem:v27+s3+$0x0], $0xffff;
	v48 =	vadd.s32 v55, v18  }
0x8d: {  	v32 =	vor.u32 s19, v46;
	[tilespmem:v31+s10+$0x0] =	vst.idx.msk $0xffff, v19;
	v26 =	vadd.s32 v7, v52;
	v18 =	vld.idx.msk [tilespmem:v60+s3+$0x0], $0xffff;
	v19 =	vshll.u32 v29, $0x2  }
0x8e: {  	v50 =	vor.u32 s24, v11;
	v29 =	vld.idx.msk [tilespmem:v61+s3+$0x0], $0xffff;
	v30 =	vshll.u32 v30, $0x2;
	v19 =	vadd.s32 v7, v19  }
0x8f: {  	[tilespmem:v45+s10+$0x0] =	vst.idx.msk $0xffff, v20;
	v31 =	vor.u32 s13, v8;
	v30 =	vadd.s32 v7, v30;
	v23 =	vld.idx.msk [tilespmem:v23+s8+$0x0], $0xffff;
	v28 =	vshll.u32 v28, $0x2  }
0x90: {  	v20 =	vcvt.s32.f32 v25;
	[tilespmem:v44+s10+$0x0] =	vst.idx.msk $0xffff, v24;
	v24 =	vor.u32 s21, v0;
	v59 =	vld.idx.msk [tilespmem:v22+s8+$0x0], $0xffff;
	v28 =	vadd.s32 v7, v28  }
0x91: {  	v57 =	vor.u32 s21, v3;
	v54 =	vor.u32 s22, v11;
	v27 =	vshll.u32 v27, $0x2;
	v35 =	vld.idx.msk [tilespmem:v48+s8+$0x0], $0xffff  }
0x92: {  	[tilespmem:v47+s10+$0x0] =	vst.idx.msk $0xffff, v21;
	v60 =	vor.u32 s20, v5;
	v58 =	vadd.s32 v7, v27;
	v22 =	vshll.u32 v18, $0x2;
	v27 =	vld.idx.msk [tilespmem:v26+s8+$0x0], $0xffff  }
0x93: {  	v62 =	vor.u32 s23, v11;
	[tilespmem:v50+s10+$0x0] =	vst.idx.msk $0xffff, v16;
	v25 =	vshll.u32 v29, $0x2;
	v21 =	vld.idx.msk [tilespmem:v19+s8+$0x0], $0xffff;
	v61 =	vadd.s32 v56, v22  }
0x94: {  	v17 =	vcvt.s32.f32 v17;
	[tilespmem:v31+s10+$0x0] =	vst.idx.msk $0xffff, v34;
	v19 =	vld.idx.msk [tilespmem:v30+s8+$0x0], $0xffff;
	v29 =	vadd.s32 v7, v25;
	v25 =	vor.u32 s15, v8  }
0x95: {  	v33 =	vor.u32 s19, v8;
	v30 =	vsel vm0, v49, v20;
	v20 =	vor.u32 s15, v46;
	[tilespmem:v24+s10+$0x0] =	vst.idx.msk $0xffff, v23;
	v26 =	vld.idx.msk [tilespmem:v28+s8+$0x0], $0xffff  }
0x96: {  	v16 =	vor.u32 s20, v6;
	v34 =	vor.u32 s18, v8;
	[tilespmem:v54+s10+$0x0] =	vst.idx.msk $0xffff, v30;
	v28 =	vld.idx.msk [tilespmem:v57+s3+$0x0], $0xffff  }
0x97: {  	v22 =	vor.u32 s13, v46;
	v23 =	vor.u32 s14, v8;
	v63 =	vsel vm0, v59, v17;
	v24 =	vld.idx.msk [tilespmem:v58+s8+$0x0], $0xffff;
	[tilespmem:v60+s10+$0x0] =	vst.idx.msk $0xffff, v35  }
0x98: {  	s22 =	simm.s32 $0x10;
	v31 =	vor.u32 s18, v46;
	v30 =	vor.u32 s17, v8;
	[tilespmem:v62+s10+$0x0] =	vst.idx.msk $0xffff, v63;
	v17 =	vld.idx.msk [tilespmem:v61+s8+$0x0], $0xffff  }
.LBB2_2:
0x99: {  	s29 =	sshll.u32 s22, $0x7;
	p0 =	slt.u32 s22, $0xF8;
	s22 =	sadd.s32 $0x8, s22;
	[tilespmem:v25+s10+$0x0] =	vst.idx.msk $0xffff, v19;
	v25 =	vld.idx.msk [tilespmem:v29+s8+$0x0], $0xffff;
	v29 =	vor.u32 s12, v11  }
0x9a: {  	s24 =	sadd.s32 $0x80, s29;
	s25 =	sadd.s32 $0x100, s29;
	s23 =	sadd.s32 $0x380, s29;
	v20 =	vld.idx.msk [tilespmem:v20+s3+$0x0], $0xffff;
	[tilespmem:v33+s10+$0x0] =	vst.idx.msk $0xffff, v27;
	v27 =	vor.u32 s17, v46;
	v33 =	vor.u32 s16, v8  }
0x9b: {  	s28 =	sadd.s32 $0x180, s29;
	s26 =	sadd.s32 $0x280, s29;
	s30 =	sadd.s32 $0x300, s29;
	v35 =	vor.u32 s24, v14;
	v36 =	vor.u32 s25, v14;
	v32 =	vld.idx.msk [tilespmem:v32+s3+$0x0], $0xffff;
	[tilespmem:v34+s10+$0x0] =	vst.idx.msk $0xffff, v26  }
0x9c: {  	v18 =	vcvt.s32.f32 v18;
	s12 =	smov.u32 s20;
	v26 =	vor.u32 s28, v0;
	v19 =	vor.u32 s30, v0;
	s20 =	smov.u32 s30;
	[tilespmem:v23+s10+$0x0] =	vst.idx.msk $0xffff, v21;
	v21 =	vld.idx.msk [tilespmem:v22+s3+$0x0], $0xffff  }
0x9d: {  	s30 =	sadd.s32 $0x200, s29;
	v22 =	vor.u32 s28, v14;
	v23 =	vor.u32 s20, v6;
	v31 =	vld.idx.msk [tilespmem:v31+s3+$0x0], $0xffff;
	[tilespmem:v30+s10+$0x0] =	vst.idx.msk $0xffff, v24  }
0x9e: {  	v24 =	vor.u32 s30, v14;
	v17 =	vsel vm0, v17, v18;
	v30 =	vld.idx.msk [tilespmem:v16+s3+$0x0], $0xffff;
	v16 =	vmov v23  }
0x9f: {  	v18 =	vor.u32 s26, v14;
	v23 =	vshll.u32 v28, $0x2;
	v27 =	vld.idx.msk [tilespmem:v27+s3+$0x0], $0xffff;
	[tilespmem:v33+s10+$0x0] =	vst.idx.msk $0xffff, v25  }
0xa0: {  	v34 =	vor.u32 s16, v46;
	v28 =	vor.u32 s20, v14;
	v33 =	vshll.u32 v20, $0x2;
	v25 =	vld.idx.msk [tilespmem:v35+s3+$0x0], $0xffff;
	[tilespmem:v29+s10+$0x0] =	vst.idx.msk $0xffff, v17  }
0xa1: {  	v35 =	vor.u32 s23, v14;
	v17 =	vshll.u32 v32, $0x2;
	v29 =	vld.idx.msk [tilespmem:v36+s3+$0x0], $0xffff  }
0xa2: {  	v36 =	vadd.s32 v56, v17;
	v17 =	vshll.u32 v21, $0x2;
	v22 =	vld.idx.msk [tilespmem:v22+s3+$0x0], $0xffff  }
0xa3: {  	v37 =	vshll.u32 v31, $0x2;
	v38 =	vadd.s32 v56, v17;
	v24 =	vld.idx.msk [tilespmem:v24+s3+$0x0], $0xffff  }
0xa4: {  	v23 =	vadd.s32 v55, v23;
	v30 =	vshll.u32 v30, $0x2;
	v18 =	vld.idx.msk [tilespmem:v18+s3+$0x0], $0xffff  }
0xa5: {  	v37 =	vadd.s32 v56, v37;
	v39 =	vshll.u32 v27, $0x2;
	v17 =	vld.idx.msk [tilespmem:v34+s3+$0x0], $0xffff  }
0xa6: {  	v25 =	vshll.u32 v25, $0x2;
	v34 =	vld.idx.msk [tilespmem:v35+s3+$0x0], $0xffff;
	v35 =	vadd.s32 v56, v39  }
0xa7: {  	v25 =	vadd.s32 v15, v25;
	v29 =	vshll.u32 v29, $0x2;
	v39 =	vor.u32 s13, v11;
	s13 =	smov.u32 s21;
	s21 =	smov.u32 s29;
	v36 =	vld.idx.msk [tilespmem:v36+s8+$0x0], $0xffff  }
0xa8: {  	v29 =	vadd.s32 v15, v29;
	v22 =	vshll.u32 v22, $0x2;
	v38 =	vld.idx.msk [tilespmem:v38+s8+$0x0], $0xffff  }
0xa9: {  	v40 =	vcvt.s32.f32 v21;
	v22 =	vadd.s32 v15, v22;
	v24 =	vshll.u32 v24, $0x2;
	v23 =	vld.idx.msk [tilespmem:v23+s8+$0x0], $0xffff  }
0xaa: {  	v24 =	vadd.s32 v15, v24;
	v18 =	vshll.u32 v18, $0x2;
	v37 =	vld.idx.msk [tilespmem:v37+s8+$0x0], $0xffff  }
0xab: {  	v41 =	vor.u32 s19, v11;
	s19 =	smov.u32 s28;
	v18 =	vadd.s32 v15, v18;
	v21 =	vshll.u32 v17, $0x2;
	v35 =	vld.idx.msk [tilespmem:v35+s8+$0x0], $0xffff  }
0xac: {  	v42 =	vor.u32 s18, v11;
	s18 =	smov.u32 s30;
	v32 =	vcvt.s32.f32 v32;
	v34 =	vshll.u32 v34, $0x2;
	v25 =	vld.idx.msk [tilespmem:v25+s8+$0x0], $0xffff  }
0xad: {  	v43 =	vor.u32 s24, v0;
	v31 =	vcvt.s32.f32 v31;
	v34 =	vadd.s32 v15, v34;
	v29 =	vld.idx.msk [tilespmem:v29+s8+$0x0], $0xffff  }
0xae: {  	v44 =	vor.u32 s24, v3;
	v45 =	vor.u32 s25, v0;
	v38 =	vsel vm0, v38, v40;
	v22 =	vld.idx.msk [tilespmem:v22+s8+$0x0], $0xffff  }
0xaf: {  	v27 =	vcvt.s32.f32 v27;
	v32 =	vsel vm0, v36, v32;
	v40 =	vor.u32 s25, v3;
	v24 =	vld.idx.msk [tilespmem:v24+s8+$0x0], $0xffff;
	[tilespmem:v39+s10+$0x0] =	vst.idx.msk $0xffff, v38  }
0xb0: {  	v36 =	vor.u32 s19, v3;
	v38 =	vor.u32 s18, v0;
	v31 =	vsel vm0, v37, v31;
	v18 =	vld.idx.msk [tilespmem:v18+s8+$0x0], $0xffff;
	[tilespmem:v41+s10+$0x0] =	vst.idx.msk $0xffff, v32  }
0xb1: {  	v37 =	vor.u32 s26, v0;
	v32 =	vor.u32 s18, v3;
	v27 =	vsel vm0, v35, v27;
	v28 =	vld.idx.msk [tilespmem:v28+s3+$0x0], $0xffff;
	[tilespmem:v42+s10+$0x0] =	vst.idx.msk $0xffff, v31  }
0xb2: {  	[tilespmem:v43+s10+$0x0] =	vst.idx.msk $0xffff, v25;
	v25 =	vor.u32 s26, v3;
	v31 =	vld.idx.msk [tilespmem:v34+s8+$0x0], $0xffff;
	v34 =	vor.u32 s17, v11;
	s17 =	smov.u32 s26  }
0xb3: {  	v30 =	vadd.s32 v7, v30;
	v39 =	vor.u32 s23, v0;
	v35 =	vld.idx.msk [tilespmem:v44+s3+$0x0], $0xffff;
	[tilespmem:v45+s10+$0x0] =	vst.idx.msk $0xffff, v29;
	v29 =	vor.u32 s20, v3  }
0xb4: {  	v41 =	vor.u32 s13, v6;
	v40 =	vld.idx.msk [tilespmem:v40+s3+$0x0], $0xffff;
	[tilespmem:v26+s10+$0x0] =	vst.idx.msk $0xffff, v22;
	v22 =	vor.u32 s23, v3;
	v26 =	vor.u32 s13, v5  }
0xb5: {  	v36 =	vld.idx.msk [tilespmem:v36+s3+$0x0], $0xffff;
	[tilespmem:v38+s10+$0x0] =	vst.idx.msk $0xffff, v24;
	v24 =	vadd.s32 v56, v33  }
0xb6: {  	v33 =	vor.u32 s21, v14;
	v32 =	vld.idx.msk [tilespmem:v32+s3+$0x0], $0xffff;
	[tilespmem:v37+s10+$0x0] =	vst.idx.msk $0xffff, v18  }
0xb7: {  	v18 =	vld.idx.msk [tilespmem:v25+s3+$0x0], $0xffff;
	v25 =	vshll.u32 v28, $0x2;
	[tilespmem:v34+s10+$0x0] =	vst.idx.msk $0xffff, v27  }
0xb8: {  	v25 =	vadd.s32 v15, v25;
	[tilespmem:v39+s10+$0x0] =	vst.idx.msk $0xffff, v31;
	v27 =	vld.idx.msk [tilespmem:v30+s8+$0x0], $0xffff  }
0xb9: {  	v28 =	vshll.u32 v35, $0x2;
	v22 =	vld.idx.msk [tilespmem:v22+s3+$0x0], $0xffff;
	[tilespmem:v26+s10+$0x0] =	vst.idx.msk $0xffff, v23;
	v23 =	vor.u32 s14, v46;
	v26 =	vor.u32 s12, v8  }
0xba: {  	v28 =	vadd.s32 v55, v28;
	v30 =	vshll.u32 v40, $0x2;
	v31 =	vld.idx.msk [tilespmem:v41+s3+$0x0], $0xffff  }
0xbb: {  	v30 =	vadd.s32 v55, v30;
	v34 =	vshll.u32 v36, $0x2;
	v33 =	vld.idx.msk [tilespmem:v33+s3+$0x0], $0xffff  }
0xbc: {  	v34 =	vadd.s32 v55, v34;
	v32 =	vshll.u32 v32, $0x2;
	v24 =	vld.idx.msk [tilespmem:v24+s8+$0x0], $0xffff  }
0xbd: {  	v32 =	vadd.s32 v55, v32;
	v18 =	vshll.u32 v18, $0x2;
	v25 =	vld.idx.msk [tilespmem:v25+s8+$0x0], $0xffff  }
0xbe: {  	v35 =	vor.u32 s13, v8;
	v36 =	vor.u32 s15, v11;
	s15 =	smov.u32 s25;
	v18 =	vadd.s32 v55, v18;
	v23 =	vld.idx.msk [tilespmem:v23+s3+$0x0], $0xffff;
	[tilespmem:v26+s10+$0x0] =	vst.idx.msk $0xffff, v27  }
0xbf: {  	v27 =	vor.u32 s24, v5;
	v22 =	vshll.u32 v22, $0x2;
	v26 =	vld.idx.msk [tilespmem:v28+s8+$0x0], $0xffff;
	v28 =	vor.u32 s15, v5  }
0xc0: {  	v20 =	vcvt.s32.f32 v20;
	v22 =	vadd.s32 v55, v22;
	v31 =	vshll.u32 v31, $0x2;
	v30 =	vld.idx.msk [tilespmem:v30+s8+$0x0], $0xffff  }
0xc1: {  	v37 =	vor.u32 s24, v6;
	v33 =	vshll.u32 v33, $0x2;
	v31 =	vadd.s32 v7, v31;
	v34 =	vld.idx.msk [tilespmem:v34+s8+$0x0], $0xffff  }
0xc2: {  	v39 =	vor.u32 s19, v5;
	v38 =	vor.u32 s15, v6;
	v20 =	vsel vm0, v24, v20;
	v32 =	vld.idx.msk [tilespmem:v32+s8+$0x0], $0xffff  }
0xc3: {  	v40 =	vor.u32 s18, v5;
	v24 =	vor.u32 s19, v6;
	v18 =	vld.idx.msk [tilespmem:v18+s8+$0x0], $0xffff;
	[tilespmem:v19+s10+$0x0] =	vst.idx.msk $0xffff, v25  }
0xc4: {  	v19 =	vor.u32 s18, v6;
	v25 =	vor.u32 s17, v5;
	v29 =	vld.idx.msk [tilespmem:v29+s3+$0x0], $0xffff;
	[tilespmem:v36+s10+$0x0] =	vst.idx.msk $0xffff, v20  }
0xc5: {  	v20 =	vor.u32 s17, v6;
	[tilespmem:v27+s10+$0x0] =	vst.idx.msk $0xffff, v26;
	v22 =	vld.idx.msk [tilespmem:v22+s8+$0x0], $0xffff  }
0xc6: {  	v27 =	vor.u32 s23, v5;
	v26 =	vld.idx.msk [tilespmem:v37+s3+$0x0], $0xffff;
	[tilespmem:v28+s10+$0x0] =	vst.idx.msk $0xffff, v30;
	v28 =	vor.u32 s12, v46  }
0xc7: {  	v36 =	vshll.u32 v23, $0x2;
	v30 =	vld.idx.msk [tilespmem:v38+s3+$0x0], $0xffff;
	[tilespmem:v39+s10+$0x0] =	vst.idx.msk $0xffff, v34;
	v34 =	vor.u32 s23, v6  }
0xc8: {  	v24 =	vld.idx.msk [tilespmem:v24+s3+$0x0], $0xffff;
	[tilespmem:v40+s10+$0x0] =	vst.idx.msk $0xffff, v32;
	v32 =	vadd.s32 v56, v36  }
0xc9: {  	v19 =	vld.idx.msk [tilespmem:v19+s3+$0x0], $0xffff;
	[tilespmem:v25+s10+$0x0] =	vst.idx.msk $0xffff, v18  }
0xca: {  	v25 =	vadd.s32 v15, v33;
	v18 =	vshll.u32 v29, $0x2;
	v20 =	vld.idx.msk [tilespmem:v20+s3+$0x0], $0xffff  }
0xcb: {  	v29 =	vadd.s32 v55, v18;
	[tilespmem:v27+s10+$0x0] =	vst.idx.msk $0xffff, v22;
	v18 =	vld.idx.msk [tilespmem:v28+s3+$0x0], $0xffff  }
0xcc: {  	v21 =	vadd.s32 v56, v21;
	v22 =	vshll.u32 v26, $0x2;
	v26 =	vld.idx.msk [tilespmem:v34+s3+$0x0], $0xffff  }
0xcd: {  	v22 =	vadd.s32 v7, v22;
	v27 =	vshll.u32 v30, $0x2;
	v28 =	vld.idx.msk [tilespmem:v32+s8+$0x0], $0xffff  }
0xce: {  	v27 =	vadd.s32 v7, v27;
	v24 =	vshll.u32 v24, $0x2;
	v30 =	vld.idx.msk [tilespmem:v31+s8+$0x0], $0xffff;
	v31 =	vor.u32 s14, v11;
	s14 =	smov.u32 s24  }
0xcf: {  	v34 =	vor.u32 s21, v3;
	v24 =	vadd.s32 v7, v24;
	v19 =	vshll.u32 v19, $0x2;
	v32 =	vld.idx.msk [tilespmem:v25+s8+$0x0], $0xffff  }
0xd0: {  	v33 =	vor.u32 s21, v0;
	v36 =	vadd.s32 v7, v19;
	v19 =	vshll.u32 v20, $0x2;
	v37 =	vld.idx.msk [tilespmem:v29+s8+$0x0], $0xffff  }
0xd1: {  	v20 =	vcvt.s32.f32 v23;
	v38 =	vadd.s32 v7, v19;
	v19 =	vshll.u32 v18, $0x2;
	v39 =	vld.idx.msk [tilespmem:v21+s8+$0x0], $0xffff  }
0xd2: {  	v40 =	vor.u32 s20, v5;
	v41 =	vadd.s32 v56, v19;
	v21 =	vld.idx.msk [tilespmem:v22+s8+$0x0], $0xffff;
	v22 =	vshll.u32 v26, $0x2  }
0xd3: {  	v42 =	vor.u32 s16, v11;
	s16 =	smov.u32 s23;
	v23 =	vsel vm0, v28, v20;
	v19 =	vld.idx.msk [tilespmem:v27+s8+$0x0], $0xffff;
	v29 =	vadd.s32 v7, v22  }
.Ltmp0:
0xd4: {  	v25 =	vor.u32 s15, v8;
	v22 =	vor.u32 s13, v46;
	v27 =	vld.idx.msk [tilespmem:v24+s8+$0x0], $0xffff;
	[tilespmem:v35+s10+$0x0] =	vst.idx.msk $0xffff, v30;
	(pc) =	sbr.rel @p0 .LBB2_2-.Ltmp0, $4  }
0xd5: {  	v17 =	vcvt.s32.f32 v17;
	v20 =	vor.u32 s15, v46;
	[tilespmem:v33+s10+$0x0] =	vst.idx.msk $0xffff, v32;
	v33 =	vor.u32 s19, v8;
	v26 =	vld.idx.msk [tilespmem:v36+s8+$0x0], $0xffff  }
0xd6: {  	v32 =	vor.u32 s19, v46;
	v28 =	vld.idx.msk [tilespmem:v34+s3+$0x0], $0xffff;
	v34 =	vor.u32 s18, v8;
	[tilespmem:v31+s10+$0x0] =	vst.idx.msk $0xffff, v23  }
0xd7: {  	v23 =	vor.u32 s14, v8;
	v35 =	vsel vm0, v39, v17;
	v24 =	vld.idx.msk [tilespmem:v38+s8+$0x0], $0xffff;
	[tilespmem:v40+s10+$0x0] =	vst.idx.msk $0xffff, v37  }
0xd8: {  	v30 =	vor.u32 s17, v8;
	v31 =	vor.u32 s18, v46;
	v17 =	vld.idx.msk [tilespmem:v41+s8+$0x0], $0xffff;
	[tilespmem:v42+s10+$0x0] =	vst.idx.msk $0xffff, v35  }
0xd9: {  	_ =	sdelay $0x1  }
0xda: {  	v28 =	vshll.u32 v28, $0x2  }
0xdb: {  	v28 =	vadd.s32 v55, v28;
	_ =	sdelay $0x4  }
0xdc: {  	v35 =	vor.u32 s21, v5;
	v28 =	vld.idx.msk [tilespmem:v28+s8+$0x0], $0xffff  }
0xdd: {  	v36 =	vor.u32 s21, v6;
	_ =	sdelay $0x3  }
0xde: {  	v16 =	vld.idx.msk [tilespmem:v16+s3+$0x0], $0xffff;
	[tilespmem:v35+s10+$0x0] =	vst.idx.msk $0xffff, v28  }
0xdf: {  	v28 =	vld.idx.msk [tilespmem:v36+s3+$0x0], $0xffff;
	_ =	sdelay $0x3  }
0xe0: {  	v16 =	vshll.u32 v16, $0x2  }
0xe1: {  	v16 =	vadd.s32 v7, v16;
	v28 =	vshll.u32 v28, $0x2  }
0xe2: {  	v29 =	vld.idx.msk [tilespmem:v29+s8+$0x0], $0xffff;
	[tilespmem:v33+s10+$0x0] =	vst.idx.msk $0xffff, v27;
	v27 =	vadd.s32 v7, v28  }
0xe3: {  	v22 =	vld.idx.msk [tilespmem:v22+s3+$0x0], $0xffff;
	v28 =	vor.u32 s17, v46  }
0xe4: {  	v32 =	vld.idx.msk [tilespmem:v32+s3+$0x0], $0xffff;
	[tilespmem:v34+s10+$0x0] =	vst.idx.msk $0xffff, v26  }
0xe5: {  	v50 =	vor.u32 s16, v8;
	v52 =	vor.u32 s14, v46;
	v31 =	vld.idx.msk [tilespmem:v31+s3+$0x0], $0xffff  }
0xe6: {  	v54 =	vor.u32 s16, v46;
	v57 =	vor.u32 s20, v8;
	v16 =	vld.idx.msk [tilespmem:v16+s8+$0x0], $0xffff  }
0xe7: {  	v58 =	vor.u32 s21, v8;
	[tilespmem:v30+s10+$0x0] =	vst.idx.msk $0xffff, v24;
	v30 =	vor.u32 s20, v46;
	v27 =	vld.idx.msk [tilespmem:v27+s8+$0x0], $0xffff  }
0xe8: {  	[tilespmem:v25+s10+$0x0] =	vst.idx.msk $0xffff, v19;
	v59 =	vor.u32 s21, v46;
	v19 =	vld.idx.msk [tilespmem:v28+s3+$0x0], $0xffff  }
0xe9: {  	[tilespmem:v23+s10+$0x0] =	vst.idx.msk $0xffff, v21;
	v20 =	vld.idx.msk [tilespmem:v20+s3+$0x0], $0xffff  }
0xea: {  	[tilespmem:v50+s10+$0x0] =	vst.idx.msk $0xffff, v29;
	v21 =	vshll.u32 v22, $0x2;
	v23 =	vld.idx.msk [tilespmem:v52+s3+$0x0], $0xffff  }
0xeb: {  	v60 =	vshll.u32 v32, $0x2;
	v21 =	vadd.s32 v56, v21;
	[tilespmem:v57+s10+$0x0] =	vst.idx.msk $0xffff, v16;
	v28 =	vld.idx.msk [tilespmem:v54+s3+$0x0], $0xffff  }
0xec: {  	v61 =	vshll.u32 v31, $0x2;
	v16 =	vadd.s32 v56, v60;
	v29 =	vld.idx.msk [tilespmem:v30+s3+$0x0], $0xffff;
	[tilespmem:v58+s10+$0x0] =	vst.idx.msk $0xffff, v27  }
0xed: {  	v62 =	vadd.s32 v56, v61;
	v63 =	vshll.u32 v19, $0x2;
	v25 =	vld.idx.msk [tilespmem:v59+s3+$0x0], $0xffff  }
0xee: {  	v27 =	vshll.u32 v20, $0x2;
	v26 =	vadd.s32 v56, v63  }
0xef: {  	v18 =	vcvt.s32.f32 v18;
	v33 =	vshll.u32 v23, $0x2;
	v27 =	vadd.s32 v56, v27  }
0xf0: {  	v21 =	vld.idx.msk [tilespmem:v21+s8+$0x0], $0xffff;
	v33 =	vadd.s32 v56, v33;
	v30 =	vor.u32 s12, v11;
	v34 =	vshll.u32 v28, $0x2  }
0xf1: {  	v13 =	vor.u32 s13, v11;
	v16 =	vld.idx.msk [tilespmem:v16+s8+$0x0], $0xffff;
	v41 =	vshll.u32 v29, $0x2;
	v34 =	vadd.s32 v56, v34  }
0xf2: {  	v37 =	vor.u32 s19, v11;
	v24 =	vld.idx.msk [tilespmem:v62+s8+$0x0], $0xffff;
	v36 =	vadd.s32 v56, v41;
	v38 =	vshll.u32 v25, $0x2  }
0xf3: {  	v39 =	vor.u32 s18, v11;
	v22 =	vcvt.s32.f32 v22;
	v26 =	vld.idx.msk [tilespmem:v26+s8+$0x0], $0xffff;
	v38 =	vadd.s32 v56, v38  }
0xf4: {  	v42 =	vor.u32 s17, v11;
	v17 =	vsel vm0, v17, v18;
	v18 =	vcvt.s32.f32 v32;
	v27 =	vld.idx.msk [tilespmem:v27+s8+$0x0], $0xffff  }
0xf5: {  	v21 =	vsel vm0, v21, v22;
	v22 =	vor.u32 s15, v11;
	[tilespmem:v30+s10+$0x0] =	vst.idx.msk $0xffff, v17;
	v17 =	vcvt.s32.f32 v31;
	v30 =	vld.idx.msk [tilespmem:v33+s8+$0x0], $0xffff  }
0xf6: {  	[tilespmem:v13+s10+$0x0] =	vst.idx.msk $0xffff, v21;
	v16 =	vsel vm0, v16, v18;
	v18 =	vcvt.s32.f32 v19;
	v19 =	vor.u32 s14, v11;
	v21 =	vld.idx.msk [tilespmem:v34+s8+$0x0], $0xffff  }
0xf7: {  	[tilespmem:v37+s10+$0x0] =	vst.idx.msk $0xffff, v16;
	v16 =	vsel vm0, v24, v17;
	v17 =	vcvt.s32.f32 v20;
	v43 =	vld.idx.msk [tilespmem:v36+s8+$0x0], $0xffff;
	v20 =	vor.u32 s16, v11  }
0xf8: {  	[tilespmem:v39+s10+$0x0] =	vst.idx.msk $0xffff, v16;
	v16 =	vsel vm0, v26, v18;
	v18 =	vcvt.s32.f32 v23;
	v23 =	vor.u32 s20, v11;
	v44 =	vld.idx.msk [tilespmem:v38+s8+$0x0], $0xffff  }
0xf9: {  	s15 =	simm.s32 $0x6;
	[tilespmem:v42+s10+$0x0] =	vst.idx.msk $0xffff, v16;
	v16 =	vsel vm0, v27, v17;
	v17 =	vcvt.s32.f32 v28;
	v27 =	vor.u32 s21, v11  }
0xfa: {  	[tilespmem:v22+s10+$0x0] =	vst.idx.msk $0xffff, v16;
	v16 =	vsel vm0, v30, v18;
	v18 =	vcvt.s32.f32 v29;
	v22 =	vmov s15  }
0xfb: {  	[tilespmem:v19+s10+$0x0] =	vst.idx.msk $0xffff, v16;
	v16 =	vsel vm0, v21, v17;
	v17 =	vcvt.s32.f32 v25;
	v19 =	vshll.u32 v22, $0x7  }
0xfc: {  	s17 =	simm.s32 $0x1;
	s16 =	simm.s32 $0x7;
	[tilespmem:v20+s10+$0x0] =	vst.idx.msk $0xffff, v16;
	v16 =	vsel vm0, v43, v18;
	v36 =	vbroadcast v19, $0x0  }
0xfd: {  	v18 =	vmov s16;
	[tilespmem:v23+s10+$0x0] =	vst.idx.msk $0xffff, v16;
	v16 =	vsel vm0, v44, v17;
	v17 =	vmov s17  }
0xfe: {  	s18 =	simm.s32 $0x0;
	s19 =	simm.s32 $0x4;
	s20 =	simm.s32 $0x5;
	v18 =	vshll.u32 v18, $0x7;
	[tilespmem:v27+s10+$0x0] =	vst.idx.msk $0xffff, v16;
	v16 =	vshll.u32 v17, $0x7;
	v17 =	vor.u32 v14, v36  }
0xff: {  	v35 =	vbroadcast v18, $0x0;
	[tilespmem:s18], [sflag:$0x1] =	stream.linear.gather [hbm4b:s5+s18], $0x8000, $0x38;
	v33 =	vbroadcast v16, $0x0;
	v16 =	vmov s19;
	[tilespmem:$0x1E600] =	vst v63  }
0x100: {  	v20 =	vmov s20;
	_ =	swait.ge [sflag:s9], $0x8000;
	v16 =	vshll.u32 v16, $0x7  }
0x101: {  	v18 =	vor.u32 v14, v35;
	[sflag:s9] =	ssyncset.done $0x0;
	v13 =	vbroadcast v16, $0x0;
	v16 =	vshll.u32 v20, $0x7  }
0x102: {  	s21 =	simm.s32 $0x2;
	v19 =	vor.u32 v14, v33;
	[sflag:s9] =	ssyncadd.s32 $0xFFFF8000;
	v37 =	vbroadcast v16, $0x0  }
0x103: {  	v21 =	vmov s21;
	v16 =	vld.idx.msk [tilespmem:v17+s3+$0x0], $0xffff;
	v17 =	vor.u32 v14, v13  }
0x104: {  	v21 =	vshll.u32 v21, $0x7;
	v20 =	vor.u32 v14, v37  }
0x105: {  	v5 =	vmov v56;
	v56 =	vbroadcast v21, $0x0;
	v21 =	vmov s18  }
0x106: {  	s22 =	simm.s32 $0x3;
	v21 =	vshll.u32 v21, $0x7;
	v18 =	vld.idx.msk [tilespmem:v18+s3+$0x0], $0xffff  }
0x107: {  	v22 =	vmov s22;
	v40 =	vbroadcast v21, $0x0;
	v19 =	vld.idx.msk [tilespmem:v19+s3+$0x0], $0xffff  }
0x108: {  	v23 =	vor.u32 v14, v56;
	v21 =	vshll.u32 v22, $0x7;
	v17 =	vld.idx.msk [tilespmem:v17+s3+$0x0], $0xffff  }
0x109: {  	v41 =	vbroadcast v21, $0x0;
	v21 =	vor.u32 v14, v40;
	v16 =	vshll.u32 v16, $0x2;
	v20 =	vld.idx.msk [tilespmem:v20+s3+$0x0], $0xffff  }
0x10a: {  	v16 =	vadd.s32 v15, v16  }
0x10b: {  	v22 =	vor.u32 v14, v41;
	v18 =	vshll.u32 v18, $0x2  }
0x10c: {  	v18 =	vadd.s32 v15, v18;
	v19 =	vshll.u32 v19, $0x2  }
0x10d: {  	v23 =	vld.idx.msk [tilespmem:v23+s3+$0x0], $0xffff;
	v19 =	vadd.s32 v15, v19;
	v17 =	vshll.u32 v17, $0x2  }
0x10e: {  	v21 =	vld.idx.msk [tilespmem:v21+s3+$0x0], $0xffff;
	v17 =	vadd.s32 v15, v17;
	v20 =	vshll.u32 v20, $0x2  }
0x10f: {  	v45 =	vor.u32 v12, v36;
	v16 =	vld.idx.msk [tilespmem:v16+s8+$0x0], $0xffff;
	v20 =	vadd.s32 v15, v20  }
0x110: {  	v47 =	vor.u32 v3, v36;
	v22 =	vld.idx.msk [tilespmem:v22+s3+$0x0], $0xffff  }
0x111: {  	v48 =	vor.u32 v12, v35;
	v18 =	vld.idx.msk [tilespmem:v18+s8+$0x0], $0xffff  }
0x112: {  	v28 =	vor.u32 v3, v35;
	v23 =	vshll.u32 v23, $0x2;
	v19 =	vld.idx.msk [tilespmem:v19+s8+$0x0], $0xffff  }
0x113: {  	v27 =	vor.u32 v12, v33;
	v23 =	vadd.s32 v15, v23;
	v17 =	vld.idx.msk [tilespmem:v17+s8+$0x0], $0xffff  }
0x114: {  	v30 =	vor.u32 v3, v33;
	v31 =	vor.u32 v12, v13;
	[tilespmem:v45+s10+$0x0] =	vst.idx.msk $0xffff, v16;
	v20 =	vld.idx.msk [tilespmem:v20+s8+$0x0], $0xffff  }
0x115: {  	v49 =	vor.u32 v3, v13;
	v50 =	vor.u32 v12, v37;
	v16 =	vld.idx.msk [tilespmem:v47+s3+$0x0], $0xffff  }
0x116: {  	[tilespmem:v48+s10+$0x0] =	vst.idx.msk $0xffff, v18;
	v18 =	vor.u32 v3, v37  }
0x117: {  	v21 =	vshll.u32 v21, $0x2;
	v52 =	vld.idx.msk [tilespmem:v28+s3+$0x0], $0xffff  }
0x118: {  	v23 =	vld.idx.msk [tilespmem:v23+s8+$0x0], $0xffff;
	[tilespmem:v27+s10+$0x0] =	vst.idx.msk $0xffff, v19;
	v19 =	vadd.s32 v15, v21  }
0x119: {  	v54 =	vor.u32 v12, v56;
	v22 =	vshll.u32 v22, $0x2;
	[tilespmem:v31+s10+$0x0] =	vst.idx.msk $0xffff, v17;
	v17 =	vld.idx.msk [tilespmem:v30+s3+$0x0], $0xffff  }
0x11a: {  	s26 =	simm.s32 $0xB;
	v22 =	vadd.s32 v15, v22;
	v21 =	vld.idx.msk [tilespmem:v49+s3+$0x0], $0xffff;
	[tilespmem:v50+s10+$0x0] =	vst.idx.msk $0xffff, v20;
	v16 =	vshll.u32 v16, $0x2  }
0x11b: {  	v62 =	vmov s26;
	v18 =	vld.idx.msk [tilespmem:v18+s3+$0x0], $0xffff;
	v16 =	vadd.s32 v55, v16  }
0x11c: {  	v25 =	vshll.u32 v62, $0x7;
	v20 =	vor.u32 v3, v56;
	v24 =	vshll.u32 v52, $0x2  }
0x11d: {  	s24 =	simm.s32 $0x9;
	v58 =	vor.u32 v53, v36;
	v57 =	vor.u32 v12, v40;
	v19 =	vld.idx.msk [tilespmem:v19+s8+$0x0], $0xffff;
	v24 =	vadd.s32 v55, v24  }
0x11e: {  	s23 =	simm.s32 $0xE;
	v28 =	vmov s24;
	v27 =	vor.u32 v3, v40;
	v17 =	vshll.u32 v17, $0x2  }
0x11f: {  	v22 =	vld.idx.msk [tilespmem:v22+s8+$0x0], $0xffff;
	[tilespmem:v54+s10+$0x0] =	vst.idx.msk $0xffff, v23;
	v21 =	vshll.u32 v21, $0x2;
	v23 =	vadd.s32 v55, v17;
	v17 =	vmov s23  }
0x120: {  	v21 =	vadd.s32 v55, v21;
	v18 =	vshll.u32 v18, $0x2;
	v30 =	vld.idx.msk [tilespmem:v16+s8+$0x0], $0xffff;
	v16 =	vshll.u32 v17, $0x7  }
0x121: {  	s25 =	simm.s32 $0xF;
	v20 =	vld.idx.msk [tilespmem:v20+s3+$0x0], $0xffff;
	v31 =	vadd.s32 v55, v18;
	v18 =	vshll.u32 v28, $0x7;
	v17 =	vbroadcast v16, $0x0  }
0x122: {  	[tilespmem:v57+s10+$0x0] =	vst.idx.msk $0xffff, v19;
	v19 =	vor.u32 v6, v36;
	v24 =	vld.idx.msk [tilespmem:v24+s8+$0x0], $0xffff;
	v11 =	vbroadcast v18, $0x0;
	v18 =	vmov s25  }
0x123: {  	v59 =	vor.u32 v53, v33;
	v26 =	vld.idx.msk [tilespmem:v27+s3+$0x0], $0xffff;
	v18 =	vshll.u32 v18, $0x7;
	v28 =	vor.u32 v14, v17  }
0x124: {  	v42 =	vor.u32 v53, v13;
	v23 =	vld.idx.msk [tilespmem:v23+s8+$0x0], $0xffff;
	v60 =	vor.u32 v14, v11;
	v18 =	vbroadcast v18, $0x0  }
0x125: {  	v43 =	vor.u32 v6, v13;
	v45 =	vor.u32 v3, v41;
	v27 =	vor.u32 v6, v33;
	v61 =	vld.idx.msk [tilespmem:v21+s8+$0x0], $0xffff  }
0x126: {  	s28 =	simm.s32 $0xC;
	[tilespmem:v58+s10+$0x0] =	vst.idx.msk $0xffff, v30;
	v21 =	vor.u32 v12, v41;
	v31 =	vld.idx.msk [tilespmem:v31+s8+$0x0], $0xffff;
	v44 =	vor.u32 v14, v18  }
0x127: {  	s31 =	simm.s32 $0x8;
	v54 =	vor.u32 v53, v37;
	v48 =	vor.u32 v6, v37;
	v30 =	vld.idx.msk [tilespmem:v19+s3+$0x0], $0xffff;
	v19 =	vmov s28  }
0x128: {  	v63 =	vshll.u32 v20, $0x2;
	v58 =	vmov s31;
	v20 =	vshll.u32 v19, $0x7;
	v39 =	vld.idx.msk [tilespmem:v28+s3+$0x0], $0xffff  }
0x129: {  	s29 =	simm.s32 $0xA;
	v19 =	vbroadcast v25, $0x0;
	v26 =	vshll.u32 v26, $0x2;
	v20 =	vbroadcast v20, $0x0;
	[tilespmem:v59+s10+$0x0] =	vst.idx.msk $0xffff, v23;
	v52 =	vld.idx.msk [tilespmem:v60+s3+$0x0], $0xffff  }
0x12a: {  	s30 =	simm.s32 $0xD;
	v28 =	vadd.s32 v55, v63;
	v26 =	vadd.s32 v55, v26;
	v23 =	vmov s29;
	v27 =	vld.idx.msk [tilespmem:v27+s3+$0x0], $0xffff  }
0x12b: {  	v57 =	vor.u32 v14, v19;
	v23 =	vshll.u32 v23, $0x7;
	[tilespmem:v21+s10+$0x0] =	vst.idx.msk $0xffff, v22;
	v22 =	vmov s30;
	v44 =	vld.idx.msk [tilespmem:v44+s3+$0x0], $0xffff  }
0x12c: {  	v47 =	vor.u32 v14, v20;
	[tilespmem:v42+s10+$0x0] =	vst.idx.msk $0xffff, v61;
	v21 =	vbroadcast v23, $0x0;
	v45 =	vld.idx.msk [tilespmem:v45+s3+$0x0], $0xffff;
	v22 =	vshll.u32 v22, $0x7  }
0x12d: {  	v10 =	vld.idx.msk [tilespmem:v43+s3+$0x0], $0xffff;
	v61 =	vshll.u32 v30, $0x2;
	[tilespmem:v54+s10+$0x0] =	vst.idx.msk $0xffff, v31;
	v23 =	vbroadcast v22, $0x0;
	v22 =	vshll.u32 v58, $0x7  }
0x12e: {  	v62 =	vadd.s32 v7, v61;
	v63 =	vld.idx.msk [tilespmem:v48+s3+$0x0], $0xffff;
	v8 =	vbroadcast v22, $0x0  }
0x12f: {  	v60 =	vor.u32 v53, v35;
	v49 =	vld.idx.msk [tilespmem:v28+s8+$0x0], $0xffff;
	v50 =	vor.u32 v14, v21  }
0x130: {  	v61 =	vor.u32 v6, v35;
	v42 =	vld.idx.msk [tilespmem:v57+s3+$0x0], $0xffff;
	v0 =	vor.u32 v9, v8  }
0x131: {  	v25 =	vshll.u32 v39, $0x2;
	v30 =	vor.u32 v14, v23;
	v31 =	vld.idx.msk [tilespmem:v47+s3+$0x0], $0xffff;
	[tilespmem:$0x1FF30] =	vst v0  }
0x132: {  	v59 =	vadd.s32 v15, v25;
	v44 =	vshll.u32 v44, $0x2;
	v26 =	vld.idx.msk [tilespmem:v26+s8+$0x0], $0xffff  }
0x133: {  	v32 =	vshll.u32 v52, $0x2;
	v44 =	vadd.s32 v15, v44;
	v34 =	vld.idx.msk [tilespmem:v62+s8+$0x0], $0xffff  }
0x134: {  	v27 =	vshll.u32 v27, $0x2;
	v32 =	vadd.s32 v15, v32;
	[tilespmem:v60+s10+$0x0] =	vst.idx.msk $0xffff, v24;
	v50 =	vld.idx.msk [tilespmem:v50+s3+$0x0], $0xffff  }
0x135: {  	v27 =	vadd.s32 v7, v27;
	v62 =	vshll.u32 v45, $0x2;
	v45 =	vld.idx.msk [tilespmem:v61+s3+$0x0], $0xffff  }
0x136: {  	v47 =	vor.u32 v53, v40;
	v0 =	vmovc v55;
	v55 =	vor.u32 v14, v8;
	v30 =	vld.idx.msk [tilespmem:v30+s3+$0x0], $0xffff;
	v31 =	vshll.u32 v31, $0x2  }
0x137: {  	v29 =	vor.u32 v53, v56;
	v2 =	vor.u32 v51, v33;
	v43 =	vld.idx.msk [tilespmem:v59+s8+$0x0], $0xffff;
	v31 =	vadd.s32 v15, v31  }
0x138: {  	v38 =	vor.u32 v12, v11;
	v58 =	vor.u32 v12, v18;
	v57 =	vadd.s32 v0, v62;
	v44 =	vld.idx.msk [tilespmem:v44+s8+$0x0], $0xffff  }
0x139: {  	v54 =	vor.u32 v3, v11;
	v60 =	vor.u32 v9, v36;
	v59 =	vor.u32 v6, v40;
	v32 =	vld.idx.msk [tilespmem:v32+s8+$0x0], $0xffff  }
0x13a: {  	v4 =	vmovc v46;
	v48 =	vor.u32 v12, v17;
	v61 =	vld.idx.msk [tilespmem:v27+s8+$0x0], $0xffff;
	v24 =	vshll.u32 v50, $0x2;
	v50 =	vor.u32 v3, v18  }
0x13b: {  	v46 =	vshll.u32 v63, $0x2;
	[tilespmem:v47+s10+$0x0] =	vst.idx.msk $0xffff, v26;
	v55 =	vld.idx.msk [tilespmem:v55+s3+$0x0], $0xffff;
	v63 =	vshll.u32 v30, $0x2;
	v30 =	vor.u32 v9, v33  }
0x13c: {  	v22 =	vor.u32 v9, v40;
	v62 =	vadd.s32 v15, v24;
	v31 =	vld.idx.msk [tilespmem:v31+s8+$0x0], $0xffff;
	[tilespmem:$0x1FF40] =	vst v2  }
0x13d: {  	v16 =	vor.u32 v3, v21;
	v26 =	vshll.u32 v45, $0x2;
	v57 =	vld.idx.msk [tilespmem:v57+s8+$0x0], $0xffff;
	[tilespmem:v58+s10+$0x0] =	vst.idx.msk $0xffff, v44  }
0x13e: {  	v63 =	vadd.s32 v15, v63;
	v2 =	vor.u32 v51, v56;
	v45 =	vld.idx.msk [tilespmem:v59+s3+$0x0], $0xffff;
	[tilespmem:v60+s10+$0x0] =	vst.idx.msk $0xffff, v34  }
0x13f: {  	v26 =	vadd.s32 v7, v26;
	v44 =	vor.u32 v12, v20;
	v34 =	vld.idx.msk [tilespmem:v50+s3+$0x0], $0xffff;
	[tilespmem:$0x1FF50] =	vst v2  }
0x140: {  	v47 =	vor.u32 v6, v56;
	v2 =	vor.u32 v51, v41;
	[tilespmem:v30+s10+$0x0] =	vst.idx.msk $0xffff, v61  }
0x141: {  	v1 =	vmov v53;
	v39 =	vor.u32 v3, v17;
	v46 =	vadd.s32 v7, v46;
	v59 =	vld.idx.msk [tilespmem:v62+s8+$0x0], $0xffff;
	[tilespmem:$0x1FF60] =	vst v2  }
0x142: {  	v24 =	vor.u32 v53, v41;
	v33 =	vor.u32 v4, v33;
	v25 =	vshll.u32 v55, $0x2;
	[tilespmem:v29+s10+$0x0] =	vst.idx.msk $0xffff, v49  }
0x143: {  	v30 =	vor.u32 v51, v36;
	v55 =	vadd.s32 v15, v25;
	v61 =	vld.idx.msk [tilespmem:v63+s8+$0x0], $0xffff;
	[tilespmem:v38+s10+$0x0] =	vst.idx.msk $0xffff, v32  }
0x144: {  	v36 =	vor.u32 v4, v36;
	v2 =	vor.u32 v51, v40;
	v26 =	vld.idx.msk [tilespmem:v26+s8+$0x0], $0xffff;
	[tilespmem:v44+s10+$0x0] =	vst.idx.msk $0xffff, v31  }
0x145: {  	v52 =	vor.u32 v12, v21;
	v42 =	vshll.u32 v42, $0x2;
	v60 =	vor.u32 v6, v41;
	v47 =	vld.idx.msk [tilespmem:v47+s3+$0x0], $0xffff;
	[tilespmem:$0x1FF70] =	vst v2  }
0x146: {  	v50 =	vor.u32 v4, v35;
	v25 =	vshll.u32 v10, $0x2;
	v10 =	vmovc v51;
	v51 =	vor.u32 v9, v37;
	v53 =	vld.idx.msk [tilespmem:v46+s8+$0x0], $0xffff  }
0x147: {  	v49 =	vor.u32 v3, v20;
	v32 =	vor.u32 v12, v23;
	v44 =	vadd.s32 v15, v42;
	v31 =	vld.idx.msk [tilespmem:v33+s3+$0x0], $0xffff  }
0x148: {  	v42 =	vor.u32 v3, v23;
	v34 =	vshll.u32 v34, $0x2;
	v2 =	vmov v14;
	[tilespmem:v24+s10+$0x0] =	vst.idx.msk $0xffff, v57;
	v58 =	vld.idx.msk [tilespmem:v55+s8+$0x0], $0xffff  }
0x149: {  	v24 =	vor.u32 v9, v35;
	[tilespmem:v48+s10+$0x0] =	vst.idx.msk $0xffff, v43;
	v33 =	vor.u32 v10, v35;
	v35 =	vld.idx.msk [tilespmem:v36+s3+$0x0], $0xffff  }
0x14a: {  	v14 =	vor.u32 v4, v56;
	[tilespmem:v52+s10+$0x0] =	vst.idx.msk $0xffff, v59;
	v48 =	vadd.s32 v7, v25;
	v43 =	vld.idx.msk [tilespmem:v60+s3+$0x0], $0xffff  }
0x14b: {  	v38 =	vadd.s32 v0, v34;
	v34 =	vor.u32 v10, v37;
	v46 =	vor.u32 v9, v13;
	v52 =	vld.idx.msk [tilespmem:v39+s3+$0x0], $0xffff  }
0x14c: {  	v57 =	vor.u32 v4, v13;
	v36 =	vor.u32 v6, v20;
	v39 =	vld.idx.msk [tilespmem:v54+s3+$0x0], $0xffff;
	v47 =	vshll.u32 v47, $0x2  }
0x14d: {  	v60 =	vshll.u32 v45, $0x2;
	v25 =	vld.idx.msk [tilespmem:v16+s3+$0x0], $0xffff;
	[tilespmem:v32+s10+$0x0] =	vst.idx.msk $0xffff, v61;
	v55 =	vadd.s32 v7, v47  }
0x14e: {  	v54 =	vld.idx.msk [tilespmem:v49+s3+$0x0], $0xffff;
	[tilespmem:v24+s10+$0x0] =	vst.idx.msk $0xffff, v26;
	v24 =	vor.u32 v9, v56;
	v56 =	vor.u32 v4, v37  }
0x14f: {  	v32 =	vor.u32 v10, v13;
	v49 =	vor.u32 v4, v40;
	v13 =	vadd.s32 v7, v60;
	v61 =	vld.idx.msk [tilespmem:v48+s8+$0x0], $0xffff  }
0x150: {  	v26 =	vor.u32 v12, v8;
	[tilespmem:v51+s10+$0x0] =	vst.idx.msk $0xffff, v53;
	v53 =	vld.idx.msk [tilespmem:v44+s8+$0x0], $0xffff;
	v43 =	vshll.u32 v43, $0x2  }
0x151: {  	v47 =	vor.u32 v9, v41;
	v37 =	vor.u32 v4, v41;
	v63 =	vld.idx.msk [tilespmem:v50+s3+$0x0], $0xffff;
	v41 =	vadd.s32 v7, v43  }
0x152: {  	v28 =	vmovc v12;
	v40 =	vor.u32 v1, v20;
	v62 =	vshll.u32 v52, $0x2;
	v52 =	vor.u32 v3, v8;
	v43 =	vld.idx.msk [tilespmem:v55+s8+$0x0], $0xffff  }
0x153: {  	v29 =	vmovc v23;
	v48 =	vor.u32 v3, v19;
	v44 =	vor.u32 v1, v23;
	v39 =	vshll.u32 v39, $0x2;
	v45 =	vld.idx.msk [tilespmem:v56+s3+$0x0], $0xffff  }
0x154: {  	v16 =	vmovc v8;
	v50 =	vor.u32 v6, v11;
	v8 =	vshll.u32 v54, $0x2;
	v60 =	vadd.s32 v0, v39;
	v55 =	vld.idx.msk [tilespmem:v42+s3+$0x0], $0xffff  }
0x155: {  	v54 =	vor.u32 v12, v19;
	v59 =	vadd.s32 v0, v62;
	[tilespmem:v26+s10+$0x0] =	vst.idx.msk $0xffff, v58;
	v58 =	vld.idx.msk [tilespmem:v13+s8+$0x0], $0xffff  }
0x156: {  	[tilespmem:v46+s10+$0x0] =	vst.idx.msk $0xffff, v61;
	v46 =	vor.u32 v1, v11;
	v26 =	vshll.u32 v63, $0x2;
	v51 =	vcvt.s32.f32 v63;
	v56 =	vld.idx.msk [tilespmem:v41+s8+$0x0], $0xffff  }
0x157: {  	v23 =	vmovc v11;
	v4 =	vmovc v3;
	v41 =	vld.idx.msk [tilespmem:v52+s3+$0x0], $0xffff;
	v52 =	vshll.u32 v25, $0x2;
	v25 =	vshll.u32 v35, $0x2;
	v39 =	vadd.s32 v5, v26  }
0x158: {  	v35 =	vcvt.s32.f32 v35;
	v61 =	vadd.s32 v5, v25;
	[tilespmem:v24+s10+$0x0] =	vst.idx.msk $0xffff, v43;
	v43 =	vld.idx.msk [tilespmem:v57+s3+$0x0], $0xffff;
	v26 =	vshll.u32 v45, $0x2  }
0x159: {  	s13 =	simm.s32 $0x10;
	v3 =	vmovc v15;
	v57 =	vadd.s32 v0, v8;
	v42 =	vld.idx.msk [tilespmem:v14+s3+$0x0], $0xffff;
	v45 =	vcvt.s32.f32 v45;
	v62 =	vadd.s32 v5, v26  }
.LBB2_4:
0x15a: {  	_ =	sdelay $0x1  }
0x15b: {  	v60 =	vld.idx.msk [tilespmem:v60+s8+$0x0], $0xffff  }
0x15c: {  	v7 =	vld [tilespmem:$0x1FFC0]  }
0x15d: {  	v59 =	vld.idx.msk [tilespmem:v59+s8+$0x0], $0xffff  }
0x15e: {  	v6 =	vld [tilespmem:$0x1FFB0]  }
0x15f: {  	v61 =	vld.idx.msk [tilespmem:v61+s8+$0x0], $0xffff  }
0x160: {  	[tilespmem:v22+s10+$0x0] =	vst.idx.msk $0xffff, v58;
	v22 =	vld [tilespmem:$0x1FFF0]  }
0x161: {  	v62 =	vld.idx.msk [tilespmem:v62+s8+$0x0], $0xffff  }
0x162: {  	s16 =	smov.u32 s13;
	v57 =	vld.idx.msk [tilespmem:v57+s8+$0x0], $0xffff  }
0x163: {  	v0 =	vor.u32 v1, v17;
	v38 =	vld.idx.msk [tilespmem:v38+s8+$0x0], $0xffff;
	s26 =	sadd.s32 $0x2, s16;
	[tilespmem:v47+s10+$0x0] =	vst.idx.msk $0xffff, v56;
	v55 =	vshll.u32 v55, $0x2  }
0x164: {  	s14 =	sadd.s32 $0x1, s13;
	v24 =	vmov s26;
	v26 =	vshll.u32 v43, $0x2;
	v11 =	vld.idx.msk [tilespmem:v37+s3+$0x0], $0xffff;
	v55 =	vadd.s32 v6, v55  }
0x165: {  	v13 =	vmov s14;
	v25 =	vshll.u32 v24, $0x7;
	v58 =	vadd.s32 v22, v26;
	v26 =	vld [tilespmem:$0x1FF30]  }
0x166: {  	v14 =	vshll.u32 v13, $0x7;
	v5 =	vor.u32 v7, v17;
	v37 =	vbroadcast v25, $0x0;
	v25 =	vld.idx.msk [tilespmem:v49+s3+$0x0], $0xffff;
	[tilespmem:v46+s10+$0x0] =	vst.idx.msk $0xffff, v60  }
0x167: {  	s15 =	sadd.s32 $0x6, s13;
	v47 =	vbroadcast v14, $0x0;
	[tilespmem:v54+s10+$0x0] =	vst.idx.msk $0xffff, v53;
	v50 =	vld.idx.msk [tilespmem:v50+s3+$0x0], $0xffff  }
0x168: {  	v63 =	vmov s13;
	s29 =	sadd.s32 $0x4, s16;
	v56 =	vmov s15;
	v48 =	vld.idx.msk [tilespmem:v48+s3+$0x0], $0xffff  }
0x169: {  	v8 =	vshll.u32 v41, $0x2;
	v14 =	vmov s29;
	v13 =	vor.u32 v2, v47;
	v55 =	vld.idx.msk [tilespmem:v55+s8+$0x0], $0xffff  }
0x16a: {  	v49 =	vshll.u32 v42, $0x2;
	v14 =	vshll.u32 v14, $0x7;
	v41 =	vshll.u32 v56, $0x7;
	[tilespmem:v0+s10+$0x0] =	vst.idx.msk $0xffff, v59;
	v27 =	vmovc v26;
	v26 =	vld.idx.msk [tilespmem:v39+s8+$0x0], $0xffff  }
0x16b: {  	v45 =	vsel vm0, v62, v45;
	v60 =	vshll.u32 v63, $0x7;
	v56 =	vshll.u32 v11, $0x2;
	v5 =	vld.idx.msk [tilespmem:v5+s3+$0x0], $0xffff  }
0x16c: {  	v41 =	vbroadcast v41, $0x0;
	v0 =	vadd.s32 v22, v49;
	v54 =	vadd.s32 v22, v56;
	v56 =	vld [tilespmem:$0x1FFD0]  }
0x16d: {  	s30 =	sadd.s32 $0x5, s16;
	[tilespmem:v34+s10+$0x0] =	vst.idx.msk $0xffff, v45;
	v45 =	vbroadcast v60, $0x0;
	v39 =	vbroadcast v14, $0x0;
	v14 =	vld.idx.msk [tilespmem:v58+s8+$0x0], $0xffff;
	v58 =	vshll.u32 v25, $0x2  }
0x16e: {  	v24 =	vmov s30;
	v59 =	vor.u32 v2, v41;
	v13 =	vld.idx.msk [tilespmem:v13+s3+$0x0], $0xffff  }
0x16f: {  	s31 =	sadd.s32 $0x7, s16;
	v60 =	vor.u32 v9, v45;
	[tilespmem:$0x1FF20] =	vst v27;
	v34 =	vadd.s32 v22, v58;
	v63 =	vsel vm0, v26, v51  }
0x170: {  	v27 =	vmov s31;
	v5 =	vshll.u32 v5, $0x2;
	v58 =	vmovc v29;
	[tilespmem:v33+s10+$0x0] =	vst.idx.msk $0xffff, v63;
	v63 =	vor.u32 v7, v29;
	v29 =	vld [tilespmem:$0x1FF50]  }
0x171: {  	[tilespmem:$0x1FF30] =	vst v60;
	v60 =	vld [tilespmem:$0x1FF60];
	v49 =	vshll.u32 v27, $0x7;
	v27 =	vshll.u32 v31, $0x2;
	v5 =	vadd.s32 v56, v5  }
0x172: {  	s28 =	sadd.s32 $0x3, s16;
	v24 =	vshll.u32 v24, $0x7;
	v0 =	vld.idx.msk [tilespmem:v0+s8+$0x0], $0xffff;
	v27 =	vadd.s32 v22, v27  }
0x173: {  	v12 =	vmov s28;
	v62 =	vcvt.s32.f32 v43;
	v43 =	vbroadcast v24, $0x0;
	v53 =	vld.idx.msk [tilespmem:v54+s8+$0x0], $0xffff  }
0x174: {  	v24 =	vadd.s32 v6, v52;
	v61 =	vsel vm0, v61, v35;
	v52 =	vor.u32 v2, v39;
	v26 =	vld.idx.msk [tilespmem:v59+s3+$0x0], $0xffff  }
0x175: {  	v12 =	vshll.u32 v12, $0x7;
	v42 =	vcvt.s32.f32 v42;
	v14 =	vsel vm0, v14, v62;
	[tilespmem:v30+s10+$0x0] =	vst.idx.msk $0xffff, v61;
	v34 =	vld.idx.msk [tilespmem:v34+s8+$0x0], $0xffff  }
0x176: {  	v46 =	vbroadcast v12, $0x0;
	v49 =	vbroadcast v49, $0x0;
	[tilespmem:v32+s10+$0x0] =	vst.idx.msk $0xffff, v14;
	v5 =	vld.idx.msk [tilespmem:v5+s8+$0x0], $0xffff  }
0x177: {  	v15 =	vor.u32 v2, v37;
	v0 =	vsel vm0, v0, v42;
	[tilespmem:v40+s10+$0x0] =	vst.idx.msk $0xffff, v57;
	v27 =	vld.idx.msk [tilespmem:v27+s8+$0x0], $0xffff  }
0x178: {  	v12 =	vor.u32 v2, v49;
	[tilespmem:v29+s10+$0x0] =	vst.idx.msk $0xffff, v0;
	v29 =	vld [tilespmem:$0x1FF70]  }
0x179: {  	v62 =	vor.u32 v2, v46;
	v30 =	vld.idx.msk [tilespmem:v52+s3+$0x0], $0xffff  }
0x17a: {  	v36 =	vld.idx.msk [tilespmem:v36+s3+$0x0], $0xffff  }
0x17b: {  	v8 =	vadd.s32 v6, v8;
	v25 =	vcvt.s32.f32 v25;
	v52 =	vld [tilespmem:$0x1FFE0]  }
0x17c: {  	v35 =	vor.u32 v4, v37;
	v11 =	vcvt.s32.f32 v11;
	v26 =	vshll.u32 v26, $0x2;
	v61 =	vld.idx.msk [tilespmem:v15+s3+$0x0], $0xffff  }
0x17d: {  	[tilespmem:v44+s10+$0x0] =	vst.idx.msk $0xffff, v55;
	v12 =	vld.idx.msk [tilespmem:v12+s3+$0x0], $0xffff;
	v26 =	vadd.s32 v3, v26;
	v25 =	vsel vm0, v34, v25  }
0x17e: {  	v32 =	vld.idx.msk [tilespmem:v62+s3+$0x0], $0xffff;
	v34 =	vor.u32 v9, v17;
	v30 =	vshll.u32 v30, $0x2;
	v0 =	vor.u32 v2, v43  }
0x17f: {  	v54 =	vor.u32 v1, v21;
	v57 =	vor.u32 v1, v18;
	v33 =	vld.idx.msk [tilespmem:v63+s3+$0x0], $0xffff;
	v30 =	vadd.s32 v3, v30  }
0x180: {  	v13 =	vshll.u32 v13, $0x2;
	v59 =	vor.u32 v7, v18;
	v11 =	vsel vm0, v53, v11;
	[tilespmem:v29+s10+$0x0] =	vst.idx.msk $0xffff, v25;
	v29 =	vld [tilespmem:$0x1FF40]  }
0x181: {  	v50 =	vshll.u32 v50, $0x2;
	[tilespmem:v60+s10+$0x0] =	vst.idx.msk $0xffff, v11;
	v11 =	vadd.s32 v3, v13;
	v24 =	vld.idx.msk [tilespmem:v24+s8+$0x0], $0xffff;
	v13 =	vshll.u32 v61, $0x2  }
0x182: {  	v14 =	vor.u32 v28, v47;
	v40 =	vor.u32 v4, v41;
	v26 =	vld.idx.msk [tilespmem:v26+s8+$0x0], $0xffff;
	v13 =	vadd.s32 v3, v13  }
0x183: {  	v31 =	vcvt.s32.f32 v31;
	v12 =	vshll.u32 v12, $0x2;
	[tilespmem:v34+s10+$0x0] =	vst.idx.msk $0xffff, v5;
	v5 =	vor.u32 v7, v21;
	v0 =	vld.idx.msk [tilespmem:v0+s3+$0x0], $0xffff  }
0x184: {  	v62 =	vadd.s32 v56, v50;
	[tilespmem:v57+s10+$0x0] =	vst.idx.msk $0xffff, v38;
	v12 =	vadd.s32 v3, v12;
	v53 =	vld.idx.msk [tilespmem:v30+s8+$0x0], $0xffff  }
0x185: {  	v60 =	vor.u32 v10, v21;
	v63 =	vor.u32 v2, v45;
	v57 =	vor.u32 v10, v23;
	v25 =	vld.idx.msk [tilespmem:v59+s3+$0x0], $0xffff  }
0x186: {  	v38 =	vor.u32 v1, v16;
	v27 =	vsel vm0, v27, v31;
	[tilespmem:$0x1FF40] =	vst v57;
	v8 =	vld.idx.msk [tilespmem:v8+s8+$0x0], $0xffff  }
0x187: {  	v15 =	vor.u32 v28, v41;
	v59 =	vor.u32 v7, v16;
	v13 =	vld.idx.msk [tilespmem:v13+s8+$0x0], $0xffff;
	[tilespmem:v54+s10+$0x0] =	vst.idx.msk $0xffff, v24  }
0x188: {  	v57 =	vor.u32 v28, v39;
	v5 =	vld.idx.msk [tilespmem:v5+s3+$0x0], $0xffff;
	[tilespmem:v29+s10+$0x0] =	vst.idx.msk $0xffff, v27;
	v29 =	vshll.u32 v48, $0x2  }
0x189: {  	v31 =	vor.u32 v28, v37;
	v12 =	vld.idx.msk [tilespmem:v12+s8+$0x0], $0xffff;
	v48 =	vor.u32 v28, v49;
	v29 =	vadd.s32 v6, v29  }
0x18a: {  	[tilespmem:$0x1FF50] =	vst v60;
	v61 =	vor.u32 v4, v49;
	v44 =	vld.idx.msk [tilespmem:v63+s3+$0x0], $0xffff;
	v63 =	vor.u32 v9, v23;
	v0 =	vshll.u32 v0, $0x2  }
0x18b: {  	v36 =	vshll.u32 v36, $0x2;
	v0 =	vadd.s32 v3, v0;
	v25 =	vshll.u32 v25, $0x2;
	[tilespmem:v38+s10+$0x0] =	vst.idx.msk $0xffff, v8;
	v42 =	vld.idx.msk [tilespmem:v62+s8+$0x0], $0xffff  }
0x18c: {  	v51 =	vor.u32 v52, v21;
	[tilespmem:v15+s10+$0x0] =	vst.idx.msk $0xffff, v26;
	v25 =	vadd.s32 v56, v25;
	v59 =	vld.idx.msk [tilespmem:v59+s3+$0x0], $0xffff  }
0x18d: {  	v33 =	vshll.u32 v33, $0x2;
	v34 =	vor.u32 v10, v58;
	[tilespmem:v57+s10+$0x0] =	vst.idx.msk $0xffff, v53;
	v11 =	vld.idx.msk [tilespmem:v11+s8+$0x0], $0xffff;
	v5 =	vshll.u32 v5, $0x2  }
0x18e: {  	v33 =	vadd.s32 v56, v33;
	v5 =	vadd.s32 v56, v5;
	[tilespmem:v48+s10+$0x0] =	vst.idx.msk $0xffff, v12;
	v8 =	vld.idx.msk [tilespmem:v29+s8+$0x0], $0xffff  }
0x18f: {  	v30 =	vor.u32 v10, v17;
	[tilespmem:v31+s10+$0x0] =	vst.idx.msk $0xffff, v13;
	v60 =	vld.idx.msk [tilespmem:v61+s3+$0x0], $0xffff;
	v61 =	vor.u32 v1, v19  }
0x190: {  	v0 =	vld.idx.msk [tilespmem:v0+s8+$0x0], $0xffff;
	v62 =	vor.u32 v10, v19;
	[tilespmem:v63+s10+$0x0] =	vst.idx.msk $0xffff, v42;
	v63 =	vor.u32 v52, v23  }
0x191: {  	v26 =	vor.u32 v28, v45;
	v54 =	vmov v47;
	[tilespmem:$0x1FF60] =	vst v62;
	v62 =	vor.u32 v7, v19;
	v55 =	vld.idx.msk [tilespmem:v25+s8+$0x0], $0xffff  }
0x192: {  	v57 =	vor.u32 v52, v18;
	v25 =	vld.idx.msk [tilespmem:v35+s3+$0x0], $0xffff;
	[tilespmem:v14+s10+$0x0] =	vst.idx.msk $0xffff, v11;
	v11 =	vor.u32 v28, v43  }
0x193: {  	v50 =	vor.u32 v7, v54;
	v44 =	vshll.u32 v44, $0x2;
	v27 =	vor.u32 v4, v47;
	v5 =	vld.idx.msk [tilespmem:v5+s8+$0x0], $0xffff  }
0x194: {  	v47 =	vor.u32 v9, v19;
	v48 =	vor.u32 v4, v39;
	[tilespmem:v61+s10+$0x0] =	vst.idx.msk $0xffff, v8;
	v8 =	vld.idx.msk [tilespmem:v33+s8+$0x0], $0xffff  }
0x195: {  	v12 =	vshll.u32 v59, $0x2;
	v59 =	vor.u32 v9, v18;
	v14 =	vadd.s32 v3, v44;
	v31 =	vld.idx.msk [tilespmem:v63+s3+$0x0], $0xffff  }
0x196: {  	v29 =	vor.u32 v10, v16;
	v23 =	vor.u32 v52, v58;
	v15 =	vshll.u32 v60, $0x2;
	v60 =	vld.idx.msk [tilespmem:v62+s3+$0x0], $0xffff  }
0x197: {  	v61 =	vor.u32 v9, v58;
	v63 =	vor.u32 v52, v17;
	[tilespmem:v11+s10+$0x0] =	vst.idx.msk $0xffff, v0;
	v0 =	vld.idx.msk [tilespmem:v40+s3+$0x0], $0xffff  }
0x198: {  	v42 =	vor.u32 v9, v20;
	v38 =	vadd.s32 v6, v15;
	v11 =	vld.idx.msk [tilespmem:v27+s3+$0x0], $0xffff;
	v15 =	vadd.s32 v56, v36  }
0x199: {  	v12 =	vadd.s32 v56, v12;
	[tilespmem:$0x1FF70] =	vst v29;
	v44 =	vor.u32 v1, v43;
	v27 =	vld.idx.msk [tilespmem:v48+s3+$0x0], $0xffff  }
0x19a: {  	[tilespmem:v59+s10+$0x0] =	vst.idx.msk $0xffff, v55;
	v55 =	vor.u32 v4, v43;
	v62 =	vshll.u32 v32, $0x2;
	v14 =	vld.idx.msk [tilespmem:v14+s8+$0x0], $0xffff  }
0x19b: {  	v33 =	vor.u32 v10, v18;
	v18 =	vmovc v49;
	v17 =	vmov v41;
	v24 =	vld.idx.msk [tilespmem:v57+s3+$0x0], $0xffff;
	v13 =	vadd.s32 v3, v62  }
0x19c: {  	v41 =	vor.u32 v4, v45;
	[tilespmem:v61+s10+$0x0] =	vst.idx.msk $0xffff, v8;
	v8 =	vor.u32 v9, v21;
	v57 =	vld.idx.msk [tilespmem:v63+s3+$0x0], $0xffff  }
0x19d: {  	v58 =	vor.u32 v52, v20;
	v32 =	vor.u32 v10, v20;
	v20 =	vmovc v39;
	v29 =	vshll.u32 v60, $0x2;
	v15 =	vld.idx.msk [tilespmem:v15+s8+$0x0], $0xffff  }
0x19e: {  	v49 =	vor.u32 v52, v16;
	v40 =	vor.u32 v1, v20;
	v61 =	vld.idx.msk [tilespmem:v23+s3+$0x0], $0xffff;
	v35 =	vadd.s32 v56, v29  }
0x19f: {  	v36 =	vor.u32 v7, v20;
	v21 =	vmov v37;
	v37 =	vor.u32 v52, v19;
	v55 =	vld.idx.msk [tilespmem:v55+s3+$0x0], $0xffff  }
0x1a0: {  	v19 =	vmov v46;
	v52 =	vshll.u32 v25, $0x2;
	v46 =	vor.u32 v1, v54;
	[tilespmem:v26+s10+$0x0] =	vst.idx.msk $0xffff, v14;
	v53 =	vld.idx.msk [tilespmem:v13+s8+$0x0], $0xffff  }
0x1a1: {  	p0 =	slt.u32 s13, $0xF8;
	v0 =	vshll.u32 v0, $0x2;
	v11 =	vshll.u32 v11, $0x2;
	v48 =	vor.u32 v4, v19;
	v41 =	vld.idx.msk [tilespmem:v41+s3+$0x0], $0xffff;
	[tilespmem:v8+s10+$0x0] =	vst.idx.msk $0xffff, v5  }
.Ltmp1:
0x1a2: {  	v27 =	vshll.u32 v27, $0x2;
	v23 =	vmov v54;
	v54 =	vor.u32 v28, v19;
	[tilespmem:v42+s10+$0x0] =	vst.idx.msk $0xffff, v15;
	v42 =	vld.idx.msk [tilespmem:v51+s3+$0x0], $0xffff;
	(pc) =	sbr.rel @p0 .LBB2_4-.Ltmp1, $4  }
0x1a3: {  	v13 =	vshll.u32 v24, $0x2;
	v60 =	vadd.s32 v6, v11;
	v59 =	vadd.s32 v6, v0;
	v56 =	vld.idx.msk [tilespmem:v35+s8+$0x0], $0xffff  }
0x1a4: {  	v39 =	vadd.s32 v22, v13;
	v29 =	vmovc v43;
	v11 =	vshll.u32 v57, $0x2;
	v0 =	vshll.u32 v61, $0x2;
	v43 =	vld.idx.msk [tilespmem:v58+s3+$0x0], $0xffff  }
0x1a5: {  	s12 =	sadd.s32 $0x8, s13;
	v16 =	vmovc v45;
	v45 =	vcvt.s32.f32 v61;
	v61 =	vadd.s32 v22, v11;
	v51 =	vcvt.s32.f32 v24;
	v58 =	vld.idx.msk [tilespmem:v12+s8+$0x0], $0xffff  }
0x1a6: {  	s13 =	smov.u32 s12;
	v35 =	vcvt.s32.f32 v57;
	v57 =	vadd.s32 v6, v27;
	v62 =	vadd.s32 v22, v0;
	v22 =	vld [tilespmem:$0x1FF20]  }
0x1a7: {  	_ =	sdelay $0x3  }
0x1a8: {  	[tilespmem:v47+s10+$0x0] =	vst.idx.msk $0xffff, v56  }
0x1a9: {  	v11 =	vshll.u32 v55, $0x2;
	v55 =	vld [tilespmem:$0x1FFB0]  }
0x1aa: {  	v0 =	vld.idx.msk [tilespmem:v60+s8+$0x0], $0xffff  }
0x1ab: {  	v8 =	vld.idx.msk [tilespmem:v59+s8+$0x0], $0xffff  }
0x1ac: {  	v12 =	vld.idx.msk [tilespmem:v61+s8+$0x0], $0xffff;
	v14 =	vor.u32 v1, v17;
	[tilespmem:v22+s10+$0x0] =	vst.idx.msk $0xffff, v58  }
0x1ad: {  	v56 =	vld [tilespmem:$0x1FFF0]  }
0x1ae: {  	v13 =	vld.idx.msk [tilespmem:v62+s8+$0x0], $0xffff;
	v11 =	vadd.s32 v55, v11  }
0x1af: {  	v15 =	vld.idx.msk [tilespmem:v57+s8+$0x0], $0xffff  }
0x1b0: {  	v27 =	vld.idx.msk [tilespmem:v39+s8+$0x0], $0xffff  }
0x1b1: {  	v58 =	vshll.u32 v42, $0x2;
	v6 =	vld [tilespmem:$0x1FFC0];
	[tilespmem:v14+s10+$0x0] =	vst.idx.msk $0xffff, v8;
	v14 =	vadd.s32 v55, v52  }
0x1b2: {  	v61 =	vor.u32 v1, v18;
	v62 =	vshll.u32 v41, $0x2;
	v8 =	vld.idx.msk [tilespmem:v38+s8+$0x0], $0xffff;
	v60 =	vadd.s32 v56, v58  }
0x1b3: {  	[tilespmem:v54+s10+$0x0] =	vst.idx.msk $0xffff, v53;
	v22 =	vadd.s32 v55, v62;
	v11 =	vld.idx.msk [tilespmem:v11+s8+$0x0], $0xffff  }
0x1b4: {  	[tilespmem:v46+s10+$0x0] =	vst.idx.msk $0xffff, v0;
	v59 =	vld.idx.msk [tilespmem:v48+s3+$0x0], $0xffff  }
0x1b5: {  	v39 =	vld.idx.msk [tilespmem:v50+s3+$0x0], $0xffff  }
0x1b6: {  	v14 =	vld.idx.msk [tilespmem:v14+s8+$0x0], $0xffff  }
0x1b7: {  	v24 =	vor.u32 v6, v17;
	[tilespmem:v61+s10+$0x0] =	vst.idx.msk $0xffff, v8;
	v8 =	vor.u32 v1, v21;
	v50 =	vld.idx.msk [tilespmem:v60+s8+$0x0], $0xffff  }
0x1b8: {  	v63 =	vor.u32 v6, v18;
	v60 =	vor.u32 v1, v16;
	[tilespmem:v44+s10+$0x0] =	vst.idx.msk $0xffff, v11;
	v11 =	vld.idx.msk [tilespmem:v22+s8+$0x0], $0xffff;
	_ =	sdelay $0x1  }
0x1b9: {  	v5 =	vld.idx.msk [tilespmem:v37+s3+$0x0], $0xffff;
	[tilespmem:v40+s10+$0x0] =	vst.idx.msk $0xffff, v15;
	v57 =	vor.u32 v6, v29;
	v37 =	vshll.u32 v59, $0x2  }
0x1ba: {  	v36 =	vld.idx.msk [tilespmem:v36+s3+$0x0], $0xffff;
	v37 =	vadd.s32 v55, v37  }
0x1bb: {  	v24 =	vld.idx.msk [tilespmem:v24+s3+$0x0], $0xffff;
	[tilespmem:v8+s10+$0x0] =	vst.idx.msk $0xffff, v14  }
0x1bc: {  	v59 =	vor.u32 v6, v21;
	v41 =	vld.idx.msk [tilespmem:v63+s3+$0x0], $0xffff;
	[tilespmem:v60+s10+$0x0] =	vst.idx.msk $0xffff, v11  }
0x1bd: {  	v25 =	vshll.u32 v43, $0x2;
	v7 =	vld [tilespmem:$0x1FFD0]  }
0x1be: {  	v25 =	vadd.s32 v56, v25;
	v46 =	vld.idx.msk [tilespmem:v57+s3+$0x0], $0xffff  }
0x1bf: {  	v63 =	vor.u32 v1, v19;
	v15 =	vld.idx.msk [tilespmem:v37+s8+$0x0], $0xffff  }
0x1c0: {  	v26 =	vld.idx.msk [tilespmem:v49+s3+$0x0], $0xffff;
	v62 =	vor.u32 v6, v16  }
0x1c1: {  	v57 =	vld.idx.msk [tilespmem:v59+s3+$0x0], $0xffff;
	v14 =	vshll.u32 v41, $0x2  }
0x1c2: {  	v58 =	vshll.u32 v31, $0x2;
	v54 =	vor.u32 v6, v19;
	v11 =	vadd.s32 v7, v14  }
0x1c3: {  	v38 =	vadd.s32 v56, v58;
	v0 =	vld.idx.msk [tilespmem:v25+s8+$0x0], $0xffff;
	v24 =	vshll.u32 v24, $0x2;
	v58 =	vshll.u32 v46, $0x2  }
0x1c4: {  	[tilespmem:v63+s10+$0x0] =	vst.idx.msk $0xffff, v15;
	v15 =	vshll.u32 v36, $0x2;
	v14 =	vadd.s32 v7, v24;
	v24 =	vadd.s32 v7, v58  }
0x1c5: {  	v61 =	vshll.u32 v26, $0x2;
	v25 =	vld.idx.msk [tilespmem:v62+s3+$0x0], $0xffff;
	v15 =	vadd.s32 v7, v15  }
0x1c6: {  	v39 =	vshll.u32 v39, $0x2;
	v44 =	vadd.s32 v56, v61;
	v60 =	vshll.u32 v57, $0x2;
	v46 =	vld [tilespmem:$0x1FFE0]  }
0x1c7: {  	v61 =	vor.u32 v9, v18;
	v59 =	vadd.s32 v7, v39;
	v39 =	vadd.s32 v7, v60;
	v11 =	vld.idx.msk [tilespmem:v11+s8+$0x0], $0xffff  }
0x1c8: {  	v13 =	vsel vm0, v13, v45;
	v37 =	vld.idx.msk [tilespmem:v54+s3+$0x0], $0xffff  }
0x1c9: {  	v53 =	vshll.u32 v5, $0x2;
	v63 =	vor.u32 v9, v29;
	[tilespmem:v34+s10+$0x0] =	vst.idx.msk $0xffff, v13;
	v13 =	vcvt.s32.f32 v43;
	v24 =	vld.idx.msk [tilespmem:v24+s8+$0x0], $0xffff  }
0x1ca: {  	v27 =	vsel vm0, v27, v51;
	v49 =	vor.u32 v9, v20;
	v8 =	vadd.s32 v56, v53;
	v15 =	vld.idx.msk [tilespmem:v15+s8+$0x0], $0xffff  }
0x1cb: {  	v53 =	vor.u32 v9, v17;
	[tilespmem:v33+s10+$0x0] =	vst.idx.msk $0xffff, v27;
	v0 =	vsel vm0, v0, v13;
	v14 =	vld.idx.msk [tilespmem:v14+s8+$0x0], $0xffff  }
0x1cc: {  	v62 =	vor.u32 v46, v18;
	v39 =	vld.idx.msk [tilespmem:v39+s8+$0x0], $0xffff;
	[tilespmem:v61+s10+$0x0] =	vst.idx.msk $0xffff, v11;
	v11 =	vor.u32 v9, v21  }
0x1cd: {  	[tilespmem:v32+s10+$0x0] =	vst.idx.msk $0xffff, v0  }
0x1ce: {  	v47 =	vshll.u32 v37, $0x2;
	[tilespmem:v63+s10+$0x0] =	vst.idx.msk $0xffff, v24  }
0x1cf: {  	v25 =	vshll.u32 v25, $0x2;
	v36 =	vadd.s32 v7, v47;
	[tilespmem:v49+s10+$0x0] =	vst.idx.msk $0xffff, v15  }
0x1d0: {  	v41 =	vld.idx.msk [tilespmem:v44+s8+$0x0], $0xffff;
	v25 =	vadd.s32 v7, v25;
	[tilespmem:v53+s10+$0x0] =	vst.idx.msk $0xffff, v14  }
0x1d1: {  	v44 =	vld.idx.msk [tilespmem:v62+s3+$0x0], $0xffff;
	[tilespmem:v11+s10+$0x0] =	vst.idx.msk $0xffff, v39  }
0x1d2: {  	v62 =	vld [tilespmem:$0x1FF30]  }
0x1d3: {  	v0 =	vor.u32 v9, v23;
	v34 =	vld.idx.msk [tilespmem:v59+s8+$0x0], $0xffff  }
0x1d4: {  	v60 =	vor.u32 v9, v19;
	v36 =	vld.idx.msk [tilespmem:v36+s8+$0x0], $0xffff  }
0x1d5: {  	v57 =	vld.idx.msk [tilespmem:v25+s8+$0x0], $0xffff;
	_ =	sdelay $0x2  }
0x1d6: {  	[tilespmem:v0+s10+$0x0] =	vst.idx.msk $0xffff, v34  }
0x1d7: {  	[tilespmem:v60+s10+$0x0] =	vst.idx.msk $0xffff, v36  }
0x1d8: {  	[tilespmem:v62+s10+$0x0] =	vst.idx.msk $0xffff, v57  }
0x1d9: {  	v22 =	vmov v16;
	v16 =	vmov v23;
	v59 =	vor.u32 v46, v23;
	v23 =	vld [tilespmem:$0x1FF50];
	_ =	sdelay $0x4  }
0x1da: {  	v61 =	vcvt.s32.f32 v42  }
0x1db: {  	v12 =	vsel vm0, v12, v35  }
0x1dc: {  	v63 =	vsel vm0, v50, v61;
	[tilespmem:v30+s10+$0x0] =	vst.idx.msk $0xffff, v12  }
0x1dd: {  	[tilespmem:v23+s10+$0x0] =	vst.idx.msk $0xffff, v63  }
0x1de: {  	v23 =	vld [tilespmem:$0x1FF70];
	_ =	sdelay $0x4  }
0x1df: {  	v26 =	vcvt.s32.f32 v26;
	_ =	sdelay $0x1  }
0x1e0: {  	v12 =	vsel vm0, v41, v26  }
0x1e1: {  	v48 =	vor.u32 v46, v29;
	[tilespmem:v23+s10+$0x0] =	vst.idx.msk $0xffff, v12  }
0x1e2: {  	v13 =	vor.u32 v46, v17;
	v23 =	vld [tilespmem:$0x1FF40]  }
0x1e3: {  	v51 =	vor.u32 v46, v20  }
0x1e4: {  	v38 =	vld.idx.msk [tilespmem:v38+s8+$0x0], $0xffff;
	v54 =	vor.u32 v46, v21  }
0x1e5: {  	v8 =	vld.idx.msk [tilespmem:v8+s8+$0x0], $0xffff  }
0x1e6: {  	v32 =	vld.idx.msk [tilespmem:v48+s3+$0x0], $0xffff  }
0x1e7: {  	v58 =	vor.u32 v46, v22;
	v42 =	vcvt.s32.f32 v31;
	v13 =	vld.idx.msk [tilespmem:v13+s3+$0x0], $0xffff  }
0x1e8: {  	v15 =	vor.u32 v46, v19;
	v11 =	vld.idx.msk [tilespmem:v51+s3+$0x0], $0xffff  }
0x1e9: {  	v49 =	vsel vm0, v38, v42;
	v14 =	vld.idx.msk [tilespmem:v54+s3+$0x0], $0xffff  }
0x1ea: {  	v39 =	vld.idx.msk [tilespmem:v59+s3+$0x0], $0xffff;
	[tilespmem:v23+s10+$0x0] =	vst.idx.msk $0xffff, v49  }
0x1eb: {  	v0 =	vshll.u32 v32, $0x2;
	v54 =	vld [tilespmem:$0x1FF60]  }
0x1ec: {  	v40 =	vshll.u32 v44, $0x2;
	v0 =	vadd.s32 v56, v0;
	v25 =	vld.idx.msk [tilespmem:v58+s3+$0x0], $0xffff  }
0x1ed: {  	v43 =	vadd.s32 v56, v40;
	v15 =	vld.idx.msk [tilespmem:v15+s3+$0x0], $0xffff;
	v12 =	vshll.u32 v13, $0x2  }
0x1ee: {  	v5 =	vcvt.s32.f32 v5;
	v45 =	vshll.u32 v11, $0x2;
	v12 =	vadd.s32 v56, v12  }
0x1ef: {  	v47 =	vadd.s32 v56, v45;
	v48 =	vshll.u32 v14, $0x2  }
0x1f0: {  	v5 =	vsel vm0, v8, v5;
	v50 =	vadd.s32 v56, v48;
	v8 =	vshll.u32 v39, $0x2  }
0x1f1: {  	v52 =	vmov v29;
	v0 =	vld.idx.msk [tilespmem:v0+s8+$0x0], $0xffff;
	v8 =	vadd.s32 v56, v8;
	v51 =	vshll.u32 v25, $0x2  }
0x1f2: {  	v52 =	vor.u32 v10, v52;
	v53 =	vshll.u32 v15, $0x2;
	v24 =	vld.idx.msk [tilespmem:v43+s8+$0x0], $0xffff;
	v29 =	vadd.s32 v56, v51  }
0x1f3: {  	v58 =	vadd.s32 v56, v53;
	v12 =	vld.idx.msk [tilespmem:v12+s8+$0x0], $0xffff;
	[tilespmem:v54+s10+$0x0] =	vst.idx.msk $0xffff, v5;
	v5 =	vor.u32 v10, v18  }
0x1f4: {  	v16 =	vor.u32 v10, v16;
	v17 =	vor.u32 v10, v17;
	v60 =	vcvt.s32.f32 v32;
	v57 =	vld.idx.msk [tilespmem:v47+s8+$0x0], $0xffff  }
0x1f5: {  	v22 =	vor.u32 v10, v22;
	v59 =	vor.u32 v10, v20;
	v61 =	vld.idx.msk [tilespmem:v50+s8+$0x0], $0xffff;
	v63 =	vcvt.s32.f32 v44  }
0x1f6: {  	v62 =	vor.u32 v10, v21;
	v0 =	vsel vm0, v0, v60;
	v8 =	vld.idx.msk [tilespmem:v8+s8+$0x0], $0xffff;
	v13 =	vcvt.s32.f32 v13  }
0x1f7: {  	v11 =	vcvt.s32.f32 v11;
	v29 =	vld.idx.msk [tilespmem:v29+s8+$0x0], $0xffff;
	[tilespmem:v52+s10+$0x0] =	vst.idx.msk $0xffff, v0;
	v0 =	vsel vm0, v24, v63  }
0x1f8: {  	v14 =	vcvt.s32.f32 v14;
	v12 =	vsel vm0, v12, v13;
	[tilespmem:v5+s10+$0x0] =	vst.idx.msk $0xffff, v0;
	v5 =	vld.idx.msk [tilespmem:v58+s8+$0x0], $0xffff  }
0x1f9: {  	v13 =	vcvt.s32.f32 v39;
	[tilespmem:v17+s10+$0x0] =	vst.idx.msk $0xffff, v12;
	v0 =	vsel vm0, v57, v11;
	v11 =	vor.u32 v10, v19  }
0x1fa: {  	[tilespmem:v59+s10+$0x0] =	vst.idx.msk $0xffff, v0;
	v0 =	vsel vm0, v61, v14;
	v14 =	vcvt.s32.f32 v25  }
0x1fb: {  	v8 =	vsel vm0, v8, v13;
	[tilespmem:v62+s10+$0x0] =	vst.idx.msk $0xffff, v0;
	v0 =	vcvt.s32.f32 v15  }
0x1fc: {  	[tilespmem:v16+s10+$0x0] =	vst.idx.msk $0xffff, v8;
	v12 =	vsel vm0, v29, v14  }
0x1fd: {  	[tilespmem:v22+s10+$0x0] =	vst.idx.msk $0xffff, v12;
	v0 =	vsel vm0, v5, v0  }
0x1fe: {  	s11 =	sadd.s32 $0x1, s11;
	[tilespmem:v11+s10+$0x0] =	vst.idx.msk $0xffff, v0  }
0x1ff: {  	[hbm4b:s6+s3] =	stream.linear.scatter [tilespmem:s10], [sflag:$0x1], $0x10000, $0x38;
	[tilespmem:$0x1E600] =	vst v63  }
0x200: {  	p0 =	sne.s32 s11, s7;
	_ =	swait.ge [sflag:s9], $0x10000  }
.Ltmp2:
0x201: {  	v11 =	vld [tilespmem:$0x1FFA0];
	(pc) =	sbr.rel @p0 .LBB2_1-.Ltmp2, $3  }
0x202: {  	v8 =	vld [tilespmem:$0x1FF90];
	_ =	sdelay $0x1  }
0x203: {  	v53 =	vmov v1;
	v51 =	vmov v10;
	[sflag:s9] =	ssyncset.done $0x0  }
0x204: {  	v15 =	vmovc v3;
	v3 =	vmovc v4;
	v14 =	vmov v2;
	v0 =	vlaneseq.u32;
	v12 =	vmov v28;
	v5 =	vld [tilespmem:$0x1FF80];
	[sflag:s9] =	ssyncadd.s32 $0xFFFF0000  }
0x205: {  	_ =	sfence.sel $0x180000  }
0x206: {  	[bflag:$0x0] =	sbarrier.arrive $0xFFFF  }
0x207: {  	p0 =	sne.s32 s2, $0x0;
	_ =	strace $0x90000047  }
0x208: {  	s0 =	sadd.s32 @!p0 $0x100000, s0;
	[bflag:$0x2] =	sbarrier.arrive $0xFFFF  }
0x209: {  	[sflag:s0] =	ssyncadd.tile.s32 @!p0 $0x1;
	_ =	shalt  }
.Lfunc_end2:
_tile_overlayer_lowered:
.L_overlay_start_2:
0x20a: {  	(tag) =	ssettag $0x2  }
0x20b: {  	s0 =	rddreg [dreg:$0x0];
	s2 =	stileid.u32  }
0x20c: {  	s1 =	rddreg [dreg:$0x1];
	p0 =	sne.s32 s2, $0x0  }
0x20d: {  	s3 =	rddreg [dreg:$0x2];
	[bflag:$0x3] =	sbarrier.arrive $0xFFFF;
	s2 =	simm.s32 @!p0 $0x1C01  }
0x20e: {  	[timem:s3], [sflag:s2] =	dma.local @!p0 [hbm:s0], s1  }
0x20f: {  	s0 =	simm.s32 @!p0 $0x1  }
0x210: {  	_ =	swait.ge @!p0 [sflag:s0], s1  }
0x211: {  	s1 =	ssub.s32 @!p0 $0x0, s1;
	[sflag:s0] =	ssyncset.done @!p0 $0x0  }
0x212: {  	[sflag:s0] =	ssyncadd.s32 @!p0 s1  }
0x213: {  	[bflag:$0x3] =	sbarrier.arrive $0xFFFF  }
0x214: {  	_ =	shalt  }

</sc_bundles>
